<compile_context>
chip_gen: v7x
topology: tpu7x:2x2x1
jax: 0.10.2.dev20260603
libtpu: 0.0.44.dev20260713+nightly
codegen_flags: <defaults>
</compile_context>

<pallas_src>
import functools

import jax
import jax.numpy as jnp
from jax import lax
from jax.experimental import pallas as pl
from jax.experimental.pallas import tpu as pltpu
from jax.experimental.pallas import tpu_sc as plsc

ND = 10000
NT = 10000
E = 160000
FEAT = 256
HALF = 128

NC = 2
NS = 16
CHUNK = 128
CPT = 79
EPT = CPT * CHUNK
EPAD = NS * EPT
NROW = 10112
RPT = NROW // NS


def _sc_segment_sums(xi, ed, z128, ones128):
    mesh = plsc.VectorSubcoreMesh(core_axis_name="c", subcore_axis_name="s")

    def body(xi_hbm, ed_hbm, z128_hbm, ones_hbm, sum_out,
             acc, exy, rows, ones_v, sem):
        c = lax.axis_index("c")
        s = lax.axis_index("s")
        row0 = s * RPT
        ebase = s * EPT
        pltpu.sync_copy(ones_hbm, ones_v)

        for r in range(6):
            pltpu.sync_copy(z128_hbm, acc.at[pl.ds(row0, RPT)])
            plsc.subcore_barrier()

            if r < 4:
                def chunk(g, _, r=r):
                    base = ebase + g * CHUNK
                    pltpu.sync_copy(ed_hbm.at[r, :, pl.ds(base, CHUNK)], exy)
                    for i in range(CHUNK // 16):
                        sl = pl.ds(i * 16, 16)
                        exy[0, sl] = exy[0, sl] + c
                    pltpu.async_copy(xi_hbm.at[exy.at[0]], rows, sem).wait()
                    pltpu.sync_copy(rows, acc.at[exy.at[1]], add=True)
                    return 0
            else:
                def chunk(g, _, r=r):
                    base = ebase + g * CHUNK
                    pltpu.sync_copy(ed_hbm.at[2 * c + (r - 4), 1,
                                              pl.ds(base, CHUNK)], exy.at[1])
                    pltpu.sync_copy(ones_v, acc.at[exy.at[1]], add=True)
                    return 0

            lax.fori_loop(0, CPT, chunk, 0)
            plsc.subcore_barrier()
            pltpu.sync_copy(acc.at[pl.ds(row0, RPT)],
                            sum_out.at[c, r, pl.ds(row0, RPT)])

    run = pl.kernel(
        body,
        out_type=[
            jax.ShapeDtypeStruct((NC, 6, NROW, HALF), jnp.float32),
        ],
        mesh=mesh,
        scratch_types=[
            pltpu.VMEM_SHARED((NROW, HALF), jnp.float32),
            pltpu.VMEM((2, CHUNK), jnp.int32),
            pltpu.VMEM((CHUNK, HALF), jnp.float32),
            pltpu.VMEM((CHUNK, HALF), jnp.float32),
            pltpu.SemaphoreType.DMA,
        ],
    )
    (out,) = run(xi, ed, z128, ones128)
    return out


def _tc_body(x_ref, sa_lo, sa_hi, sx_lo, sx_hi, dega_ref, degx_ref,
             wsa, wsx, wna, wnx, ba, bx, o_ref):
    inv_a = 1.0 / jnp.maximum(dega_ref[0, 0][:, :1], 1.0)
    inv_x = 1.0 / jnp.maximum(degx_ref[0, 0][:, :1], 1.0)
    ws = wsa[...] + wsx[...]
    out = jnp.dot(x_ref[...], ws, preferred_element_type=jnp.float32)
    out += jnp.dot(sa_lo[0, 0] * inv_a, wna[:HALF, :],
                   preferred_element_type=jnp.float32)
    out += jnp.dot(sa_hi[0, 0] * inv_a, wna[HALF:, :],
                   preferred_element_type=jnp.float32)
    out += jnp.dot(sx_lo[0, 0] * inv_x, wnx[:HALF, :],
                   preferred_element_type=jnp.float32)
    out += jnp.dot(sx_hi[0, 0] * inv_x, wnx[HALF:, :],
                   preferred_element_type=jnp.float32)
    o_ref[...] = out + (ba[...] + bx[...])


def _tc_combine(x, sums, ra, rx, wsa, wsx, wna, wnx, ba, bx):
    n = x.shape[0]
    blk = 2000
    grid = (n // blk,)
    full = lambda i: (0, 0)
    return pl.pallas_call(
        _tc_body,
        grid=grid,
        in_specs=[
            pl.BlockSpec((blk, FEAT), lambda i: (i, 0)),
            pl.BlockSpec((1, 1, blk, HALF), lambda i, ra=ra: (0, ra, i, 0)),
            pl.BlockSpec((1, 1, blk, HALF), lambda i, ra=ra: (1, ra, i, 0)),
            pl.BlockSpec((1, 1, blk, HALF), lambda i, rx=rx: (0, rx, i, 0)),
            pl.BlockSpec((1, 1, blk, HALF), lambda i, rx=rx: (1, rx, i, 0)),
            pl.BlockSpec((1, 1, blk, HALF),
                         lambda i, ra=ra: (ra // 2, 4 + ra % 2, i, 0)),
            pl.BlockSpec((1, 1, blk, HALF),
                         lambda i, rx=rx: (rx // 2, 4 + rx % 2, i, 0)),
            pl.BlockSpec((FEAT, FEAT), full),
            pl.BlockSpec((FEAT, FEAT), full),
            pl.BlockSpec((FEAT, FEAT), full),
            pl.BlockSpec((FEAT, FEAT), full),
            pl.BlockSpec((1, FEAT), full),
            pl.BlockSpec((1, FEAT), full),
        ],
        out_specs=pl.BlockSpec((blk, FEAT), lambda i: (i, 0)),
        out_shape=jax.ShapeDtypeStruct((n, FEAT), jnp.float32),
    )(x, sums, sums, sums, sums, sums, sums, wsa, wsx, wna, wnx, ba, bx)


def kernel(x_d, x_t, edge_index_dd, edge_index_tt, edge_index_dt,
           edge_index_td, W_self_dd, W_neigh_dd, b_dd,
           W_self_tt, W_neigh_tt, b_tt, W_self_x, W_neigh_x, b_x):
    xi = jnp.concatenate(
        [x_d.reshape(2 * ND, HALF), x_t.reshape(2 * NT, HALF)], axis=0)

    def prep(ei, toff):
        src = ei[0].astype(jnp.int32)
        d = ei[1].astype(jnp.int32)
        src2 = jnp.pad(2 * src + toff, (0, EPAD - E))
        dpad = jnp.pad(d, (0, EPAD - E), constant_values=10000)
        return src2, dpad

    s0, d0 = prep(edge_index_dd, 0)
    s1, d1 = prep(edge_index_td, 2 * ND)
    s2, d2 = prep(edge_index_tt, 2 * ND)
    s3, d3 = prep(edge_index_dt, 0)
    ed = jnp.stack([jnp.stack([si, di]) for si, di in
                    [(s0, d0), (s1, d1), (s2, d2), (s3, d3)]])

    z128 = jnp.zeros((RPT, HALF), jnp.float32)
    ones128 = jnp.ones((CHUNK, HALF), jnp.float32)

    sums = _sc_segment_sums(xi, ed, z128, ones128)

    ba2 = lambda b: b.reshape(1, FEAT)
    h_d = _tc_combine(x_d, sums, 0, 1, W_self_dd, W_self_x,
                      W_neigh_dd, W_neigh_x, ba2(b_dd), ba2(b_x))
    h_t = _tc_combine(x_t, sums, 2, 3, W_self_tt, W_self_x,
                      W_neigh_tt, W_neigh_x, ba2(b_tt), ba2(b_x))
    return (h_d, h_t)

# --- scband reference (transcript-rebuilt; emitter-appended) ---
"""Pipeline reference for scband-hetsageconv-30657476559615 (READ-ONLY COPY).

The authoritative reference and input builder live on the scoring server;
editing this copy changes nothing except your own understanding.
"""

import jax, jax.numpy as jnp
import numpy as np

ND = 10000
NT = 10000
E = 160000
IN = 256
OUT = 256


def setup_inputs(seed: int = 0) -> dict:
    key = jax.random.key(seed)
    ks = jax.random.split(key, 16)
    inp = {}
    inp["x_d"] = jax.random.normal(ks[0], (ND, IN), dtype=jnp.float32)
    inp["x_t"] = jax.random.normal(ks[1], (NT, IN), dtype=jnp.float32)
    inp["edge_index_dd"] = jax.random.randint(ks[2], (2, E), 0, ND)
    inp["edge_index_tt"] = jax.random.randint(ks[3], (2, E), 0, NT)
    inp["edge_index_dt"] = jax.random.randint(ks[4], (2, E), 0, ND)  # src in d (<ND), dst in t (<NT), both 10000
    inp["edge_index_td"] = jax.random.randint(ks[5], (2, E), 0, NT)
    scale = 1.0 / np.sqrt(IN)
    # Per-relation SAGEConv params; 'dt' and 'td' share one module ('x')
    for i, name in enumerate(["dd", "tt", "x"]):
        inp[f"W_self_{name}"] = jax.random.normal(ks[6 + 2 * i], (IN, OUT), dtype=jnp.float32) * scale
        inp[f"W_neigh_{name}"] = jax.random.normal(ks[7 + 2 * i], (IN, OUT), dtype=jnp.float32) * scale
        inp[f"b_{name}"] = jnp.zeros((OUT,), dtype=jnp.float32)
    return inp


def _sage_mean(x_src, x_dst, edge_index, W_self, W_neigh, b):
    # DGL SAGEConv, aggregator_type='mean':
    #   h_neigh[v] = mean_{u in N_in(v)} x_src[u]  (0 for isolated dst nodes)
    #   out = x_dst @ W_self + h_neigh @ W_neigh + b
    src = edge_index[0]
    dst = edge_index[1]
    n_dst = x_dst.shape[0]
    msg = jnp.take(x_src, src, axis=0)
    summed = jax.ops.segment_sum(msg, dst, num_segments=n_dst)
    deg = jax.ops.segment_sum(jnp.ones((src.shape[0],), dtype=x_src.dtype), dst, num_segments=n_dst)
    h_neigh = summed / jnp.maximum(deg, 1.0)[:, None]
    return x_dst @ W_self + h_neigh @ W_neigh + b


def reference(x_d, x_t, edge_index_dd, edge_index_tt, edge_index_dt, edge_index_td,
              W_self_dd, W_neigh_dd, b_dd,
              W_self_tt, W_neigh_tt, b_tt,
              W_self_x, W_neigh_x, b_x):
    # HeteroGraphConv with aggregate='sum':
    #   h_d = SAGE_dd(d->d) + SAGE_td(t->d)   (td uses shared 'x' module)
    #   h_t = SAGE_tt(t->t) + SAGE_dt(d->t)   (dt uses shared 'x' module)
    h_d = _sage_mean(x_d, x_d, edge_index_dd, W_self_dd, W_neigh_dd, b_dd) \
        + _sage_mean(x_t, x_d, edge_index_td, W_self_x, W_neigh_x, b_x)
    h_t = _sage_mean(x_t, x_t, edge_index_tt, W_self_tt, W_neigh_tt, b_tt) \
        + _sage_mean(x_d, x_t, edge_index_dt, W_self_x, W_neigh_x, b_x)
    # .squeeze(1) in the torch code is a no-op for [N, out_features] tensors
    return (h_d, h_t)

if __name__ == "__main__":
    import jax
    _d = setup_inputs()
    print(jax.jit(kernel)(*tuple(_d.values())))

</pallas_src>

<mosaic_0001>
#map = affine_map<(d0, d1) -> (0, 0)>
#map1 = affine_map<(d0, d1) -> (0, 0, 0)>
#map2 = affine_map<(d0, d1) -> (0, 0, 0, 0)>
module attributes {stable_mosaic.version = 14 : i64} {
  func.func @body(%arg0: i32, %arg1: i32, %arg2: memref<40000x128xf32, #tpu.memory_space<hbm>>, %arg3: memref<4x2x161792xi32, #tpu.memory_space<hbm>>, %arg4: memref<632x128xf32, #tpu.memory_space<hbm>>, %arg5: memref<128x128xf32, #tpu.memory_space<hbm>>, %arg6: memref<2x6x10112x128xf32, #tpu.memory_space<hbm>>, %arg7: memref<10112x128xf32, #tpu.memory_space<vmem_shared>>, %arg8: memref<2x128xi32, #tpu.memory_space<vmem>>, %arg9: memref<128x128xf32, #tpu.memory_space<vmem>>, %arg10: memref<128x128xf32, #tpu.memory_space<vmem>>, %arg11: memref<!tpu.dma_semaphore, #tpu.memory_space<semaphore_mem>>) attributes {dimension_semantics = [#tpu.dimension_semantics<core_parallel>, #tpu.dimension_semantics<subcore_parallel>], iteration_bounds = array<i64: 2, 16>, scalar_prefetch = 0 : i64, scratch_operands = 5 : i64, tpu.core_type = #tpu.core_type<sc_vector_subcore>, window_params = [{transform_indices = #map}, {transform_indices = #map1}, {transform_indices = #map}, {transform_indices = #map}, {transform_indices = #map2}]} {
    %mul3A = arith.constant 632 : i32
    %mul3A_0 = arith.muli %arg1, %mul3A : i32
    %mul3A_1 = arith.constant 10112 : i32
    %mul3A_2 = arith.muli %arg1, %mul3A_1 : i32
    "tpu.region"() ({
      %run_scoped3A_60 = tpu.sem_alloc : memref<!tpu.dma_semaphore, #tpu.memory_space<semaphore_mem>>
      tpu.enqueue_dma source(%arg5 : memref<128x128xf32, #tpu.memory_space<hbm>>) target(%arg10 : memref<128x128xf32, #tpu.memory_space<vmem>>) target_semaphore(%run_scoped3A_60 : memref<!tpu.dma_semaphore, #tpu.memory_space<semaphore_mem>>)
      tpu.wait_dma2 semaphore(%run_scoped3A_60 : memref<!tpu.dma_semaphore, #tpu.memory_space<semaphore_mem>>) src(%arg5 : memref<128x128xf32, #tpu.memory_space<hbm>>) dst(%arg10 : memref<128x128xf32, #tpu.memory_space<vmem>>)
      tpu.yield
    }) : () -> ()
    "tpu.region"() ({
      %run_scoped3A_60 = tpu.sem_alloc : memref<!tpu.dma_semaphore, #tpu.memory_space<semaphore_mem>>
      %dma_start3A = arith.constant 0 : i32
      %dma_start3A_61 = tpu.memref_slice %arg7[%mul3A_0, %dma_start3A] : memref<10112x128xf32, #tpu.memory_space<vmem_shared>> -> memref<632x128xf32, #tpu.memory_space<vmem_shared>>
      tpu.enqueue_dma source(%arg4 : memref<632x128xf32, #tpu.memory_space<hbm>>) target(%dma_start3A_61 : memref<632x128xf32, #tpu.memory_space<vmem_shared>>) target_semaphore(%run_scoped3A_60 : memref<!tpu.dma_semaphore, #tpu.memory_space<semaphore_mem>>)
      %dma_wait3A = arith.constant 0 : i32
      %dma_wait3A_62 = tpu.memref_slice %arg7[%mul3A_0, %dma_wait3A] : memref<10112x128xf32, #tpu.memory_space<vmem_shared>> -> memref<632x128xf32, #tpu.memory_space<vmem_shared>>
      tpu.wait_dma2 semaphore(%run_scoped3A_60 : memref<!tpu.dma_semaphore, #tpu.memory_space<semaphore_mem>>) src(%arg4 : memref<632x128xf32, #tpu.memory_space<hbm>>) dst(%dma_wait3A_62 : memref<632x128xf32, #tpu.memory_space<vmem_shared>>)
      tpu.yield
    }) : () -> ()
    %barrier3A = arith.constant 0 : index
    tpu.barrier barrier_id(%barrier3A)
    %scan3A = arith.constant 0 : i32
    %scan3A_3 = arith.constant 0 : i32
    %scan3A_4 = arith.constant 79 : i32
    %scan3A_5 = arith.addi %scan3A_3, %scan3A_4 : i32
    %scan3A_6 = arith.constant 1 : i32
    %scan3A_7 = scf.for %scan3A_60 = %scan3A_3 to %scan3A_5 step %scan3A_6 iter_args(%scan3A_61 = %scan3A) -> (i32)  : i32 {
      %mul3A_62 = arith.constant 128 : i32
      %mul3A_63 = arith.muli %scan3A_60, %mul3A_62 : i32
      %add3A = arith.addi %mul3A_2, %mul3A_63 : i32
      %run_scoped3A_64 = arith.constant 0 : i32
      "tpu.region"() ({
        %run_scoped3A_181 = tpu.sem_alloc : memref<!tpu.dma_semaphore, #tpu.memory_space<semaphore_mem>>
        %dma_start3A_182 = arith.constant 0 : i32
        %dma_start3A_183 = tpu.memref_slice %arg3[%run_scoped3A_64, %dma_start3A_182, %add3A] : memref<4x2x161792xi32, #tpu.memory_space<hbm>> -> memref<1x2x128xi32, #tpu.memory_space<hbm>>
        %dma_start3A_184 = tpu.memref_squeeze %dma_start3A_183 : memref<1x2x128xi32, #tpu.memory_space<hbm>> -> memref<2x128xi32, #tpu.memory_space<hbm>>
        %dma_start3A_185 = arith.constant 0 : i32
        %dma_start3A_186 = tpu.memref_slice %arg3[%run_scoped3A_64, %dma_start3A_185, %add3A] : memref<4x2x161792xi32, #tpu.memory_space<hbm>> -> memref<1x2x128xi32, #tpu.memory_space<hbm>>
        %dma_start3A_187 = tpu.memref_squeeze %dma_start3A_186 : memref<1x2x128xi32, #tpu.memory_space<hbm>> -> memref<2x128xi32, #tpu.memory_space<hbm>>
        tpu.enqueue_dma source(%dma_start3A_187 : memref<2x128xi32, #tpu.memory_space<hbm>>) target(%arg8 : memref<2x128xi32, #tpu.memory_space<vmem>>) target_semaphore(%run_scoped3A_181 : memref<!tpu.dma_semaphore, #tpu.memory_space<semaphore_mem>>)
        %dma_wait3A_188 = arith.constant 0 : i32
        %dma_wait3A_189 = tpu.memref_slice %arg3[%run_scoped3A_64, %dma_wait3A_188, %add3A] : memref<4x2x161792xi32, #tpu.memory_space<hbm>> -> memref<1x2x128xi32, #tpu.memory_space<hbm>>
        %dma_wait3A_190 = tpu.memref_squeeze %dma_wait3A_189 : memref<1x2x128xi32, #tpu.memory_space<hbm>> -> memref<2x128xi32, #tpu.memory_space<hbm>>
        %dma_wait3A_191 = arith.constant 0 : i32
        %dma_wait3A_192 = tpu.memref_slice %arg3[%run_scoped3A_64, %dma_wait3A_191, %add3A] : memref<4x2x161792xi32, #tpu.memory_space<hbm>> -> memref<1x2x128xi32, #tpu.memory_space<hbm>>
        %dma_wait3A_193 = tpu.memref_squeeze %dma_wait3A_192 : memref<1x2x128xi32, #tpu.memory_space<hbm>> -> memref<2x128xi32, #tpu.memory_space<hbm>>
        tpu.wait_dma2 semaphore(%run_scoped3A_181 : memref<!tpu.dma_semaphore, #tpu.memory_space<semaphore_mem>>) src(%dma_wait3A_193 : memref<2x128xi32, #tpu.memory_space<hbm>>) dst(%arg8 : memref<2x128xi32, #tpu.memory_space<vmem>>)
        tpu.yield
      }) : () -> ()
      %get3A = arith.constant 0 : i32
      %get3A_65 = arith.index_cast %get3A : i32 to index
      %get3A_66 = arith.constant 0 : index
      %get3A_67 = tpu.vector_load %arg8[%get3A_65, %get3A_66] {strides = array<i32>} : memref<2x128xi32, #tpu.memory_space<vmem>>, vector<1x16xi32>,
      %get3A_68 = vector.shape_cast %get3A_67 : vector<1x16xi32> to vector<16xi32>
      %add3A_69 = vector.broadcast %arg0 : i32 to vector<16xi32>
      %add3A_70 = arith.addi %get3A_68, %add3A_69 : vector<16xi32>
      %swap3A = arith.constant 0 : i32
      %swap3A_71 = arith.index_cast %swap3A : i32 to index
      %swap3A_72 = arith.constant 0 : index
      %swap3A_73 = tpu.vector_load %arg8[%swap3A_71, %swap3A_72] {strides = array<i32>} : memref<2x128xi32, #tpu.memory_space<vmem>>, vector<1x16xi32>,
      %swap3A_74 = vector.shape_cast %swap3A_73 : vector<1x16xi32> to vector<16xi32>
      %swap3A_75 = vector.shape_cast %add3A_70 : vector<16xi32> to vector<1x16xi32>
      tpu.vector_store %arg8[%swap3A_71, %swap3A_72], %swap3A_75 {strides = array<i32>} : memref<2x128xi32, #tpu.memory_space<vmem>>, vector<1x16xi32>,
      %get3A_76 = arith.constant 0 : i32
      %get3A_77 = arith.index_cast %get3A_76 : i32 to index
      %get3A_78 = arith.constant 16 : index
      %get3A_79 = tpu.vector_load %arg8[%get3A_77, %get3A_78] {strides = array<i32>} : memref<2x128xi32, #tpu.memory_space<vmem>>, vector<1x16xi32>,
      %get3A_80 = vector.shape_cast %get3A_79 : vector<1x16xi32> to vector<16xi32>
      %add3A_81 = vector.broadcast %arg0 : i32 to vector<16xi32>
      %add3A_82 = arith.addi %get3A_80, %add3A_81 : vector<16xi32>
      %swap3A_83 = arith.constant 0 : i32
      %swap3A_84 = arith.index_cast %swap3A_83 : i32 to index
      %swap3A_85 = arith.constant 16 : index
      %swap3A_86 = tpu.vector_load %arg8[%swap3A_84, %swap3A_85] {strides = array<i32>} : memref<2x128xi32, #tpu.memory_space<vmem>>, vector<1x16xi32>,
      %swap3A_87 = vector.shape_cast %swap3A_86 : vector<1x16xi32> to vector<16xi32>
      %swap3A_88 = vector.shape_cast %add3A_82 : vector<16xi32> to vector<1x16xi32>
      tpu.vector_store %arg8[%swap3A_84, %swap3A_85], %swap3A_88 {strides = array<i32>} : memref<2x128xi32, #tpu.memory_space<vmem>>, vector<1x16xi32>,
      %get3A_89 = arith.constant 0 : i32
      %get3A_90 = arith.index_cast %get3A_89 : i32 to index
      %get3A_91 = arith.constant 32 : index
      %get3A_92 = tpu.vector_load %arg8[%get3A_90, %get3A_91] {strides = array<i32>} : memref<2x128xi32, #tpu.memory_space<vmem>>, vector<1x16xi32>,
      %get3A_93 = vector.shape_cast %get3A_92 : vector<1x16xi32> to vector<16xi32>
      %add3A_94 = vector.broadcast %arg0 : i32 to vector<16xi32>
      %add3A_95 = arith.addi %get3A_93, %add3A_94 : vector<16xi32>
      %swap3A_96 = arith.constant 0 : i32
      %swap3A_97 = arith.index_cast %swap3A_96 : i32 to index
      %swap3A_98 = arith.constant 32 : index
      %swap3A_99 = tpu.vector_load %arg8[%swap3A_97, %swap3A_98] {strides = array<i32>} : memref<2x128xi32, #tpu.memory_space<vmem>>, vector<1x16xi32>,
      %swap3A_100 = vector.shape_cast %swap3A_99 : vector<1x16xi32> to vector<16xi32>
      %swap3A_101 = vector.shape_cast %add3A_95 : vector<16xi32> to vector<1x16xi32>
      tpu.vector_store %arg8[%swap3A_97, %swap3A_98], %swap3A_101 {strides = array<i32>} : memref<2x128xi32, #tpu.memory_space<vmem>>, vector<1x16xi32>,
      %get3A_102 = arith.constant 0 : i32
      %get3A_103 = arith.index_cast %get3A_102 : i32 to index
      %get3A_104 = arith.constant 48 : index
      %get3A_105 = tpu.vector_load %arg8[%get3A_103, %get3A_104] {strides = array<i32>} : memref<2x128xi32, #tpu.memory_space<vmem>>, vector<1x16xi32>,
      %get3A_106 = vector.shape_cast %get3A_105 : vector<1x16xi32> to vector<16xi32>
      %add3A_107 = vector.broadcast %arg0 : i32 to vector<16xi32>
      %add3A_108 = arith.addi %get3A_106, %add3A_107 : vector<16xi32>
      %swap3A_109 = arith.constant 0 : i32
      %swap3A_110 = arith.index_cast %swap3A_109 : i32 to index
      %swap3A_111 = arith.constant 48 : index
      %swap3A_112 = tpu.vector_load %arg8[%swap3A_110, %swap3A_111] {strides = array<i32>} : memref<2x128xi32, #tpu.memory_space<vmem>>, vector<1x16xi32>,
      %swap3A_113 = vector.shape_cast %swap3A_112 : vector<1x16xi32> to vector<16xi32>
      %swap3A_114 = vector.shape_cast %add3A_108 : vector<16xi32> to vector<1x16xi32>
      tpu.vector_store %arg8[%swap3A_110, %swap3A_111], %swap3A_114 {strides = array<i32>} : memref<2x128xi32, #tpu.memory_space<vmem>>, vector<1x16xi32>,
      %get3A_115 = arith.constant 0 : i32
      %get3A_116 = arith.index_cast %get3A_115 : i32 to index
      %get3A_117 = arith.constant 64 : index
      %get3A_118 = tpu.vector_load %arg8[%get3A_116, %get3A_117] {strides = array<i32>} : memref<2x128xi32, #tpu.memory_space<vmem>>, vector<1x16xi32>,
      %get3A_119 = vector.shape_cast %get3A_118 : vector<1x16xi32> to vector<16xi32>
      %add3A_120 = vector.broadcast %arg0 : i32 to vector<16xi32>
      %add3A_121 = arith.addi %get3A_119, %add3A_120 : vector<16xi32>
      %swap3A_122 = arith.constant 0 : i32
      %swap3A_123 = arith.index_cast %swap3A_122 : i32 to index
      %swap3A_124 = arith.constant 64 : index
      %swap3A_125 = tpu.vector_load %arg8[%swap3A_123, %swap3A_124] {strides = array<i32>} : memref<2x128xi32, #tpu.memory_space<vmem>>, vector<1x16xi32>,
      %swap3A_126 = vector.shape_cast %swap3A_125 : vector<1x16xi32> to vector<16xi32>
      %swap3A_127 = vector.shape_cast %add3A_121 : vector<16xi32> to vector<1x16xi32>
      tpu.vector_store %arg8[%swap3A_123, %swap3A_124], %swap3A_127 {strides = array<i32>} : memref<2x128xi32, #tpu.memory_space<vmem>>, vector<1x16xi32>,
      %get3A_128 = arith.constant 0 : i32
      %get3A_129 = arith.index_cast %get3A_128 : i32 to index
      %get3A_130 = arith.constant 80 : index
      %get3A_131 = tpu.vector_load %arg8[%get3A_129, %get3A_130] {strides = array<i32>} : memref<2x128xi32, #tpu.memory_space<vmem>>, vector<1x16xi32>,
      %get3A_132 = vector.shape_cast %get3A_131 : vector<1x16xi32> to vector<16xi32>
      %add3A_133 = vector.broadcast %arg0 : i32 to vector<16xi32>
      %add3A_134 = arith.addi %get3A_132, %add3A_133 : vector<16xi32>
      %swap3A_135 = arith.constant 0 : i32
      %swap3A_136 = arith.index_cast %swap3A_135 : i32 to index
      %swap3A_137 = arith.constant 80 : index
      %swap3A_138 = tpu.vector_load %arg8[%swap3A_136, %swap3A_137] {strides = array<i32>} : memref<2x128xi32, #tpu.memory_space<vmem>>, vector<1x16xi32>,
      %swap3A_139 = vector.shape_cast %swap3A_138 : vector<1x16xi32> to vector<16xi32>
      %swap3A_140 = vector.shape_cast %add3A_134 : vector<16xi32> to vector<1x16xi32>
      tpu.vector_store %arg8[%swap3A_136, %swap3A_137], %swap3A_140 {strides = array<i32>} : memref<2x128xi32, #tpu.memory_space<vmem>>, vector<1x16xi32>,
      %get3A_141 = arith.constant 0 : i32
      %get3A_142 = arith.index_cast %get3A_141 : i32 to index
      %get3A_143 = arith.constant 96 : index
      %get3A_144 = tpu.vector_load %arg8[%get3A_142, %get3A_143] {strides = array<i32>} : memref<2x128xi32, #tpu.memory_space<vmem>>, vector<1x16xi32>,
      %get3A_145 = vector.shape_cast %get3A_144 : vector<1x16xi32> to vector<16xi32>
      %add3A_146 = vector.broadcast %arg0 : i32 to vector<16xi32>
      %add3A_147 = arith.addi %get3A_145, %add3A_146 : vector<16xi32>
      %swap3A_148 = arith.constant 0 : i32
      %swap3A_149 = arith.index_cast %swap3A_148 : i32 to index
      %swap3A_150 = arith.constant 96 : index
      %swap3A_151 = tpu.vector_load %arg8[%swap3A_149, %swap3A_150] {strides = array<i32>} : memref<2x128xi32, #tpu.memory_space<vmem>>, vector<1x16xi32>,
      %swap3A_152 = vector.shape_cast %swap3A_151 : vector<1x16xi32> to vector<16xi32>
      %swap3A_153 = vector.shape_cast %add3A_147 : vector<16xi32> to vector<1x16xi32>
      tpu.vector_store %arg8[%swap3A_149, %swap3A_150], %swap3A_153 {strides = array<i32>} : memref<2x128xi32, #tpu.memory_space<vmem>>, vector<1x16xi32>,
      %get3A_154 = arith.constant 0 : i32
      %get3A_155 = arith.index_cast %get3A_154 : i32 to index
      %get3A_156 = arith.constant 112 : index
      %get3A_157 = tpu.vector_load %arg8[%get3A_155, %get3A_156] {strides = array<i32>} : memref<2x128xi32, #tpu.memory_space<vmem>>, vector<1x16xi32>,
      %get3A_158 = vector.shape_cast %get3A_157 : vector<1x16xi32> to vector<16xi32>
      %add3A_159 = vector.broadcast %arg0 : i32 to vector<16xi32>
      %add3A_160 = arith.addi %get3A_158, %add3A_159 : vector<16xi32>
      %swap3A_161 = arith.constant 0 : i32
      %swap3A_162 = arith.index_cast %swap3A_161 : i32 to index
      %swap3A_163 = arith.constant 112 : index
      %swap3A_164 = tpu.vector_load %arg8[%swap3A_162, %swap3A_163] {strides = array<i32>} : memref<2x128xi32, #tpu.memory_space<vmem>>, vector<1x16xi32>,
      %swap3A_165 = vector.shape_cast %swap3A_164 : vector<1x16xi32> to vector<16xi32>
      %swap3A_166 = vector.shape_cast %add3A_160 : vector<16xi32> to vector<1x16xi32>
      tpu.vector_store %arg8[%swap3A_162, %swap3A_163], %swap3A_166 {strides = array<i32>} : memref<2x128xi32, #tpu.memory_space<vmem>>, vector<1x16xi32>,
      %dma_start3A = arith.constant 0 : i32
      %dma_start3A_167 = arith.constant 0 : i32
      %dma_start3A_168 = tpu.memref_slice %arg8[%dma_start3A, %dma_start3A_167] : memref<2x128xi32, #tpu.memory_space<vmem>> -> memref<1x128xi32, #tpu.memory_space<vmem>>
      %dma_start3A_169 = tpu.memref_squeeze %dma_start3A_168 : memref<1x128xi32, #tpu.memory_space<vmem>> -> memref<128xi32, #tpu.memory_space<vmem>>
      %dma_start3A_170 = arith.constant 0 : i32
      %dma_start3A_171 = arith.constant 0 : i32
      %dma_start3A_172 = tpu.memref_slice %arg2[%dma_start3A_170, %dma_start3A_171] : memref<40000x128xf32, #tpu.memory_space<hbm>> -> memref<40000x128xf32, #tpu.memory_space<hbm>>
      tpu.enqueue_indirect_dma source(%dma_start3A_172 : memref<40000x128xf32, #tpu.memory_space<hbm>>) target(%arg9 : memref<128x128xf32, #tpu.memory_space<vmem>>) offsets(%dma_start3A_169 : memref<128xi32, #tpu.memory_space<vmem>>) semaphore(%arg11 : memref<!tpu.dma_semaphore, #tpu.memory_space<semaphore_mem>>)
      %dma_wait3A = arith.constant 0 : i32
      %dma_wait3A_173 = arith.constant 0 : i32
      %dma_wait3A_174 = tpu.memref_slice %arg8[%dma_wait3A, %dma_wait3A_173] : memref<2x128xi32, #tpu.memory_space<vmem>> -> memref<1x128xi32, #tpu.memory_space<vmem>>
      %dma_wait3A_175 = tpu.memref_squeeze %dma_wait3A_174 : memref<1x128xi32, #tpu.memory_space<vmem>> -> memref<128xi32, #tpu.memory_space<vmem>>
      %dma_wait3A_176 = arith.constant 0 : i32
      %dma_wait3A_177 = arith.constant 0 : i32
      %dma_wait3A_178 = tpu.memref_slice %arg2[%dma_wait3A_176, %dma_wait3A_177] : memref<40000x128xf32, #tpu.memory_space<hbm>> -> memref<40000x128xf32, #tpu.memory_space<hbm>>
      tpu.wait_indirect_dma semaphore(%arg11 : memref<!tpu.dma_semaphore, #tpu.memory_space<semaphore_mem>>) src(%dma_wait3A_178 : memref<40000x128xf32, #tpu.memory_space<hbm>>) dst(%arg9 : memref<128x128xf32, #tpu.memory_space<vmem>>)
      %run_scoped3A_179 = arith.constant 1 : i32
      "tpu.region"() ({
        %run_scoped3A_181 = tpu.sem_alloc : memref<!tpu.dma_semaphore, #tpu.memory_space<semaphore_mem>>
        %dma_start3A_182 = arith.constant 0 : i32
        %dma_start3A_183 = tpu.memref_slice %arg8[%run_scoped3A_179, %dma_start3A_182] : memref<2x128xi32, #tpu.memory_space<vmem>> -> memref<1x128xi32, #tpu.memory_space<vmem>>
        %dma_start3A_184 = tpu.memref_squeeze %dma_start3A_183 : memref<1x128xi32, #tpu.memory_space<vmem>> -> memref<128xi32, #tpu.memory_space<vmem>>
        %dma_start3A_185 = arith.constant 0 : i32
        %dma_start3A_186 = arith.constant 0 : i32
        %dma_start3A_187 = tpu.memref_slice %arg7[%dma_start3A_185, %dma_start3A_186] : memref<10112x128xf32, #tpu.memory_space<vmem_shared>> -> memref<10112x128xf32, #tpu.memory_space<vmem_shared>>
        tpu.enqueue_indirect_dma source(%arg9 : memref<128x128xf32, #tpu.memory_space<vmem>>) target(%dma_start3A_187 : memref<10112x128xf32, #tpu.memory_space<vmem_shared>>) offsets(%dma_start3A_184 : memref<128xi32, #tpu.memory_space<vmem>>) semaphore(%run_scoped3A_181 : memref<!tpu.dma_semaphore, #tpu.memory_space<semaphore_mem>>) {add = true}
        %dma_wait3A_188 = arith.constant 0 : i32
        %dma_wait3A_189 = tpu.memref_slice %arg8[%run_scoped3A_179, %dma_wait3A_188] : memref<2x128xi32, #tpu.memory_space<vmem>> -> memref<1x128xi32, #tpu.memory_space<vmem>>
        %dma_wait3A_190 = tpu.memref_squeeze %dma_wait3A_189 : memref<1x128xi32, #tpu.memory_space<vmem>> -> memref<128xi32, #tpu.memory_space<vmem>>
        %dma_wait3A_191 = arith.constant 0 : i32
        %dma_wait3A_192 = arith.constant 0 : i32
        %dma_wait3A_193 = tpu.memref_slice %arg7[%dma_wait3A_191, %dma_wait3A_192] : memref<10112x128xf32, #tpu.memory_space<vmem_shared>> -> memref<10112x128xf32, #tpu.memory_space<vmem_shared>>
        tpu.wait_indirect_dma semaphore(%run_scoped3A_181 : memref<!tpu.dma_semaphore, #tpu.memory_space<semaphore_mem>>) src(%arg9 : memref<128x128xf32, #tpu.memory_space<vmem>>) dst(%dma_wait3A_193 : memref<10112x128xf32, #tpu.memory_space<vmem_shared>>)
        tpu.yield
      }) : () -> ()
      %scan3A_180 = arith.constant 0 : i32
      scf.yield %scan3A_180 : i32
    }
    %scan3A_8 = arith.constant 79 : i32
    %barrier3A_9 = arith.constant 0 : index
    tpu.barrier barrier_id(%barrier3A_9)
    %run_scoped3A = arith.constant 0 : i32
    "tpu.region"() ({
      %run_scoped3A_60 = tpu.sem_alloc : memref<!tpu.dma_semaphore, #tpu.memory_space<semaphore_mem>>
      %dma_start3A = arith.constant 0 : i32
      %dma_start3A_61 = tpu.memref_slice %arg6[%arg0, %run_scoped3A, %mul3A_0, %dma_start3A] : memref<2x6x10112x128xf32, #tpu.memory_space<hbm>> -> memref<1x1x632x128xf32, #tpu.memory_space<hbm>>
      %dma_start3A_62 = tpu.memref_squeeze %dma_start3A_61 : memref<1x1x632x128xf32, #tpu.memory_space<hbm>> -> memref<632x128xf32, #tpu.memory_space<hbm>>
      %dma_start3A_63 = arith.constant 0 : i32
      %dma_start3A_64 = tpu.memref_slice %arg7[%mul3A_0, %dma_start3A_63] : memref<10112x128xf32, #tpu.memory_space<vmem_shared>> -> memref<632x128xf32, #tpu.memory_space<vmem_shared>>
      tpu.enqueue_dma source(%dma_start3A_64 : memref<632x128xf32, #tpu.memory_space<vmem_shared>>) target(%dma_start3A_62 : memref<632x128xf32, #tpu.memory_space<hbm>>) target_semaphore(%run_scoped3A_60 : memref<!tpu.dma_semaphore, #tpu.memory_space<semaphore_mem>>)
      %dma_wait3A = arith.constant 0 : i32
      %dma_wait3A_65 = tpu.memref_slice %arg6[%arg0, %run_scoped3A, %mul3A_0, %dma_wait3A] : memref<2x6x10112x128xf32, #tpu.memory_space<hbm>> -> memref<1x1x632x128xf32, #tpu.memory_space<hbm>>
      %dma_wait3A_66 = tpu.memref_squeeze %dma_wait3A_65 : memref<1x1x632x128xf32, #tpu.memory_space<hbm>> -> memref<632x128xf32, #tpu.memory_space<hbm>>
      %dma_wait3A_67 = arith.constant 0 : i32
      %dma_wait3A_68 = tpu.memref_slice %arg7[%mul3A_0, %dma_wait3A_67] : memref<10112x128xf32, #tpu.memory_space<vmem_shared>> -> memref<632x128xf32, #tpu.memory_space<vmem_shared>>
      tpu.wait_dma2 semaphore(%run_scoped3A_60 : memref<!tpu.dma_semaphore, #tpu.memory_space<semaphore_mem>>) src(%dma_wait3A_68 : memref<632x128xf32, #tpu.memory_space<vmem_shared>>) dst(%dma_wait3A_66 : memref<632x128xf32, #tpu.memory_space<hbm>>)
      tpu.yield
    }) : () -> ()
    "tpu.region"() ({
      %run_scoped3A_60 = tpu.sem_alloc : memref<!tpu.dma_semaphore, #tpu.memory_space<semaphore_mem>>
      %dma_start3A = arith.constant 0 : i32
      %dma_start3A_61 = tpu.memref_slice %arg7[%mul3A_0, %dma_start3A] : memref<10112x128xf32, #tpu.memory_space<vmem_shared>> -> memref<632x128xf32, #tpu.memory_space<vmem_shared>>
      tpu.enqueue_dma source(%arg4 : memref<632x128xf32, #tpu.memory_space<hbm>>) target(%dma_start3A_61 : memref<632x128xf32, #tpu.memory_space<vmem_shared>>) target_semaphore(%run_scoped3A_60 : memref<!tpu.dma_semaphore, #tpu.memory_space<semaphore_mem>>)
      %dma_wait3A = arith.constant 0 : i32
      %dma_wait3A_62 = tpu.memref_slice %arg7[%mul3A_0, %dma_wait3A] : memref<10112x128xf32, #tpu.memory_space<vmem_shared>> -> memref<632x128xf32, #tpu.memory_space<vmem_shared>>
      tpu.wait_dma2 semaphore(%run_scoped3A_60 : memref<!tpu.dma_semaphore, #tpu.memory_space<semaphore_mem>>) src(%arg4 : memref<632x128xf32, #tpu.memory_space<hbm>>) dst(%dma_wait3A_62 : memref<632x128xf32, #tpu.memory_space<vmem_shared>>)
      tpu.yield
    }) : () -> ()
    %barrier3A_10 = arith.constant 0 : index
    tpu.barrier barrier_id(%barrier3A_10)
    %scan3A_11 = arith.constant 0 : i32
    %scan3A_12 = arith.constant 0 : i32
    %scan3A_13 = arith.constant 79 : i32
    %scan3A_14 = arith.addi %scan3A_12, %scan3A_13 : i32
    %scan3A_15 = arith.constant 1 : i32
    %scan3A_16 = scf.for %scan3A_60 = %scan3A_12 to %scan3A_14 step %scan3A_15 iter_args(%scan3A_61 = %scan3A_11) -> (i32)  : i32 {
      %mul3A_62 = arith.constant 128 : i32
      %mul3A_63 = arith.muli %scan3A_60, %mul3A_62 : i32
      %add3A = arith.addi %mul3A_2, %mul3A_63 : i32
      %run_scoped3A_64 = arith.constant 1 : i32
      "tpu.region"() ({
        %run_scoped3A_181 = tpu.sem_alloc : memref<!tpu.dma_semaphore, #tpu.memory_space<semaphore_mem>>
        %dma_start3A_182 = arith.constant 0 : i32
        %dma_start3A_183 = tpu.memref_slice %arg3[%run_scoped3A_64, %dma_start3A_182, %add3A] : memref<4x2x161792xi32, #tpu.memory_space<hbm>> -> memref<1x2x128xi32, #tpu.memory_space<hbm>>
        %dma_start3A_184 = tpu.memref_squeeze %dma_start3A_183 : memref<1x2x128xi32, #tpu.memory_space<hbm>> -> memref<2x128xi32, #tpu.memory_space<hbm>>
        %dma_start3A_185 = arith.constant 0 : i32
        %dma_start3A_186 = tpu.memref_slice %arg3[%run_scoped3A_64, %dma_start3A_185, %add3A] : memref<4x2x161792xi32, #tpu.memory_space<hbm>> -> memref<1x2x128xi32, #tpu.memory_space<hbm>>
        %dma_start3A_187 = tpu.memref_squeeze %dma_start3A_186 : memref<1x2x128xi32, #tpu.memory_space<hbm>> -> memref<2x128xi32, #tpu.memory_space<hbm>>
        tpu.enqueue_dma source(%dma_start3A_187 : memref<2x128xi32, #tpu.memory_space<hbm>>) target(%arg8 : memref<2x128xi32, #tpu.memory_space<vmem>>) target_semaphore(%run_scoped3A_181 : memref<!tpu.dma_semaphore, #tpu.memory_space<semaphore_mem>>)
        %dma_wait3A_188 = arith.constant 0 : i32
        %dma_wait3A_189 = tpu.memref_slice %arg3[%run_scoped3A_64, %dma_wait3A_188, %add3A] : memref<4x2x161792xi32, #tpu.memory_space<hbm>> -> memref<1x2x128xi32, #tpu.memory_space<hbm>>
        %dma_wait3A_190 = tpu.memref_squeeze %dma_wait3A_189 : memref<1x2x128xi32, #tpu.memory_space<hbm>> -> memref<2x128xi32, #tpu.memory_space<hbm>>
        %dma_wait3A_191 = arith.constant 0 : i32
        %dma_wait3A_192 = tpu.memref_slice %arg3[%run_scoped3A_64, %dma_wait3A_191, %add3A] : memref<4x2x161792xi32, #tpu.memory_space<hbm>> -> memref<1x2x128xi32, #tpu.memory_space<hbm>>
        %dma_wait3A_193 = tpu.memref_squeeze %dma_wait3A_192 : memref<1x2x128xi32, #tpu.memory_space<hbm>> -> memref<2x128xi32, #tpu.memory_space<hbm>>
        tpu.wait_dma2 semaphore(%run_scoped3A_181 : memref<!tpu.dma_semaphore, #tpu.memory_space<semaphore_mem>>) src(%dma_wait3A_193 : memref<2x128xi32, #tpu.memory_space<hbm>>) dst(%arg8 : memref<2x128xi32, #tpu.memory_space<vmem>>)
        tpu.yield
      }) : () -> ()
      %get3A = arith.constant 0 : i32
      %get3A_65 = arith.index_cast %get3A : i32 to index
      %get3A_66 = arith.constant 0 : index
      %get3A_67 = tpu.vector_load %arg8[%get3A_65, %get3A_66] {strides = array<i32>} : memref<2x128xi32, #tpu.memory_space<vmem>>, vector<1x16xi32>,
      %get3A_68 = vector.shape_cast %get3A_67 : vector<1x16xi32> to vector<16xi32>
      %add3A_69 = vector.broadcast %arg0 : i32 to vector<16xi32>
      %add3A_70 = arith.addi %get3A_68, %add3A_69 : vector<16xi32>
      %swap3A = arith.constant 0 : i32
      %swap3A_71 = arith.index_cast %swap3A : i32 to index
      %swap3A_72 = arith.constant 0 : index
      %swap3A_73 = tpu.vector_load %arg8[%swap3A_71, %swap3A_72] {strides = array<i32>} : memref<2x128xi32, #tpu.memory_space<vmem>>, vector<1x16xi32>,
      %swap3A_74 = vector.shape_cast %swap3A_73 : vector<1x16xi32> to vector<16xi32>
      %swap3A_75 = vector.shape_cast %add3A_70 : vector<16xi32> to vector<1x16xi32>
      tpu.vector_store %arg8[%swap3A_71, %swap3A_72], %swap3A_75 {strides = array<i32>} : memref<2x128xi32, #tpu.memory_space<vmem>>, vector<1x16xi32>,
      %get3A_76 = arith.constant 0 : i32
      %get3A_77 = arith.index_cast %get3A_76 : i32 to index
      %get3A_78 = arith.constant 16 : index
      %get3A_79 = tpu.vector_load %arg8[%get3A_77, %get3A_78] {strides = array<i32>} : memref<2x128xi32, #tpu.memory_space<vmem>>, vector<1x16xi32>,
      %get3A_80 = vector.shape_cast %get3A_79 : vector<1x16xi32> to vector<16xi32>
      %add3A_81 = vector.broadcast %arg0 : i32 to vector<16xi32>
      %add3A_82 = arith.addi %get3A_80, %add3A_81 : vector<16xi32>
      %swap3A_83 = arith.constant 0 : i32
      %swap3A_84 = arith.index_cast %swap3A_83 : i32 to index
      %swap3A_85 = arith.constant 16 : index
      %swap3A_86 = tpu.vector_load %arg8[%swap3A_84, %swap3A_85] {strides = array<i32>} : memref<2x128xi32, #tpu.memory_space<vmem>>, vector<1x16xi32>,
      %swap3A_87 = vector.shape_cast %swap3A_86 : vector<1x16xi32> to vector<16xi32>
      %swap3A_88 = vector.shape_cast %add3A_82 : vector<16xi32> to vector<1x16xi32>
      tpu.vector_store %arg8[%swap3A_84, %swap3A_85], %swap3A_88 {strides = array<i32>} : memref<2x128xi32, #tpu.memory_space<vmem>>, vector<1x16xi32>,
      %get3A_89 = arith.constant 0 : i32
      %get3A_90 = arith.index_cast %get3A_89 : i32 to index
      %get3A_91 = arith.constant 32 : index
      %get3A_92 = tpu.vector_load %arg8[%get3A_90, %get3A_91] {strides = array<i32>} : memref<2x128xi32, #tpu.memory_space<vmem>>, vector<1x16xi32>,
      %get3A_93 = vector.shape_cast %get3A_92 : vector<1x16xi32> to vector<16xi32>
      %add3A_94 = vector.broadcast %arg0 : i32 to vector<16xi32>
      %add3A_95 = arith.addi %get3A_93, %add3A_94 : vector<16xi32>
      %swap3A_96 = arith.constant 0 : i32
      %swap3A_97 = arith.index_cast %swap3A_96 : i32 to index
      %swap3A_98 = arith.constant 32 : index
      %swap3A_99 = tpu.vector_load %arg8[%swap3A_97, %swap3A_98] {strides = array<i32>} : memref<2x128xi32, #tpu.memory_space<vmem>>, vector<1x16xi32>,
      %swap3A_100 = vector.shape_cast %swap3A_99 : vector<1x16xi32> to vector<16xi32>
      %swap3A_101 = vector.shape_cast %add3A_95 : vector<16xi32> to vector<1x16xi32>
      tpu.vector_store %arg8[%swap3A_97, %swap3A_98], %swap3A_101 {strides = array<i32>} : memref<2x128xi32, #tpu.memory_space<vmem>>, vector<1x16xi32>,
      %get3A_102 = arith.constant 0 : i32
      %get3A_103 = arith.index_cast %get3A_102 : i32 to index
      %get3A_104 = arith.constant 48 : index
      %get3A_105 = tpu.vector_load %arg8[%get3A_103, %get3A_104] {strides = array<i32>} : memref<2x128xi32, #tpu.memory_space<vmem>>, vector<1x16xi32>,
      %get3A_106 = vector.shape_cast %get3A_105 : vector<1x16xi32> to vector<16xi32>
      %add3A_107 = vector.broadcast %arg0 : i32 to vector<16xi32>
      %add3A_108 = arith.addi %get3A_106, %add3A_107 : vector<16xi32>
      %swap3A_109 = arith.constant 0 : i32
      %swap3A_110 = arith.index_cast %swap3A_109 : i32 to index
      %swap3A_111 = arith.constant 48 : index
      %swap3A_112 = tpu.vector_load %arg8[%swap3A_110, %swap3A_111] {strides = array<i32>} : memref<2x128xi32, #tpu.memory_space<vmem>>, vector<1x16xi32>,
      %swap3A_113 = vector.shape_cast %swap3A_112 : vector<1x16xi32> to vector<16xi32>
      %swap3A_114 = vector.shape_cast %add3A_108 : vector<16xi32> to vector<1x16xi32>
      tpu.vector_store %arg8[%swap3A_110, %swap3A_111], %swap3A_114 {strides = array<i32>} : memref<2x128xi32, #tpu.memory_space<vmem>>, vector<1x16xi32>,
      %get3A_115 = arith.constant 0 : i32
      %get3A_116 = arith.index_cast %get3A_115 : i32 to index
      %get3A_117 = arith.constant 64 : index
      %get3A_118 = tpu.vector_load %arg8[%get3A_116, %get3A_117] {strides = array<i32>} : memref<2x128xi32, #tpu.memory_space<vmem>>, vector<1x16xi32>,
      %get3A_119 = vector.shape_cast %get3A_118 : vector<1x16xi32> to vector<16xi32>
      %add3A_120 = vector.broadcast %arg0 : i32 to vector<16xi32>
      %add3A_121 = arith.addi %get3A_119, %add3A_120 : vector<16xi32>
      %swap3A_122 = arith.constant 0 : i32
      %swap3A_123 = arith.index_cast %swap3A_122 : i32 to index
      %swap3A_124 = arith.constant 64 : index
      %swap3A_125 = tpu.vector_load %arg8[%swap3A_123, %swap3A_124] {strides = array<i32>} : memref<2x128xi32, #tpu.memory_space<vmem>>, vector<1x16xi32>,
      %swap3A_126 = vector.shape_cast %swap3A_125 : vector<1x16xi32> to vector<16xi32>
      %swap3A_127 = vector.shape_cast %add3A_121 : vector<16xi32> to vector<1x16xi32>
      tpu.vector_store %arg8[%swap3A_123, %swap3A_124], %swap3A_127 {strides = array<i32>} : memref<2x128xi32, #tpu.memory_space<vmem>>, vector<1x16xi32>,
      %get3A_128 = arith.constant 0 : i32
      %get3A_129 = arith.index_cast %get3A_128 : i32 to index
      %get3A_130 = arith.constant 80 : index
      %get3A_131 = tpu.vector_load %arg8[%get3A_129, %get3A_130] {strides = array<i32>} : memref<2x128xi32, #tpu.memory_space<vmem>>, vector<1x16xi32>,
      %get3A_132 = vector.shape_cast %get3A_131 : vector<1x16xi32> to vector<16xi32>
      %add3A_133 = vector.broadcast %arg0 : i32 to vector<16xi32>
      %add3A_134 = arith.addi %get3A_132, %add3A_133 : vector<16xi32>
      %swap3A_135 = arith.constant 0 : i32
      %swap3A_136 = arith.index_cast %swap3A_135 : i32 to index
      %swap3A_137 = arith.constant 80 : index
      %swap3A_138 = tpu.vector_load %arg8[%swap3A_136, %swap3A_137] {strides = array<i32>} : memref<2x128xi32, #tpu.memory_space<vmem>>, vector<1x16xi32>,
      %swap3A_139 = vector.shape_cast %swap3A_138 : vector<1x16xi32> to vector<16xi32>
      %swap3A_140 = vector.shape_cast %add3A_134 : vector<16xi32> to vector<1x16xi32>
      tpu.vector_store %arg8[%swap3A_136, %swap3A_137], %swap3A_140 {strides = array<i32>} : memref<2x128xi32, #tpu.memory_space<vmem>>, vector<1x16xi32>,
      %get3A_141 = arith.constant 0 : i32
      %get3A_142 = arith.index_cast %get3A_141 : i32 to index
      %get3A_143 = arith.constant 96 : index
      %get3A_144 = tpu.vector_load %arg8[%get3A_142, %get3A_143] {strides = array<i32>} : memref<2x128xi32, #tpu.memory_space<vmem>>, vector<1x16xi32>,
      %get3A_145 = vector.shape_cast %get3A_144 : vector<1x16xi32> to vector<16xi32>
      %add3A_146 = vector.broadcast %arg0 : i32 to vector<16xi32>
      %add3A_147 = arith.addi %get3A_145, %add3A_146 : vector<16xi32>
      %swap3A_148 = arith.constant 0 : i32
      %swap3A_149 = arith.index_cast %swap3A_148 : i32 to index
      %swap3A_150 = arith.constant 96 : index
      %swap3A_151 = tpu.vector_load %arg8[%swap3A_149, %swap3A_150] {strides = array<i32>} : memref<2x128xi32, #tpu.memory_space<vmem>>, vector<1x16xi32>,
      %swap3A_152 = vector.shape_cast %swap3A_151 : vector<1x16xi32> to vector<16xi32>
      %swap3A_153 = vector.shape_cast %add3A_147 : vector<16xi32> to vector<1x16xi32>
      tpu.vector_store %arg8[%swap3A_149, %swap3A_150], %swap3A_153 {strides = array<i32>} : memref<2x128xi32, #tpu.memory_space<vmem>>, vector<1x16xi32>,
      %get3A_154 = arith.constant 0 : i32
      %get3A_155 = arith.index_cast %get3A_154 : i32 to index
      %get3A_156 = arith.constant 112 : index
      %get3A_157 = tpu.vector_load %arg8[%get3A_155, %get3A_156] {strides = array<i32>} : memref<2x128xi32, #tpu.memory_space<vmem>>, vector<1x16xi32>,
      %get3A_158 = vector.shape_cast %get3A_157 : vector<1x16xi32> to vector<16xi32>
      %add3A_159 = vector.broadcast %arg0 : i32 to vector<16xi32>
      %add3A_160 = arith.addi %get3A_158, %add3A_159 : vector<16xi32>
      %swap3A_161 = arith.constant 0 : i32
      %swap3A_162 = arith.index_cast %swap3A_161 : i32 to index
      %swap3A_163 = arith.constant 112 : index
      %swap3A_164 = tpu.vector_load %arg8[%swap3A_162, %swap3A_163] {strides = array<i32>} : memref<2x128xi32, #tpu.memory_space<vmem>>, vector<1x16xi32>,
      %swap3A_165 = vector.shape_cast %swap3A_164 : vector<1x16xi32> to vector<16xi32>
      %swap3A_166 = vector.shape_cast %add3A_160 : vector<16xi32> to vector<1x16xi32>
      tpu.vector_store %arg8[%swap3A_162, %swap3A_163], %swap3A_166 {strides = array<i32>} : memref<2x128xi32, #tpu.memory_space<vmem>>, vector<1x16xi32>,
      %dma_start3A = arith.constant 0 : i32
      %dma_start3A_167 = arith.constant 0 : i32
      %dma_start3A_168 = tpu.memref_slice %arg8[%dma_start3A, %dma_start3A_167] : memref<2x128xi32, #tpu.memory_space<vmem>> -> memref<1x128xi32, #tpu.memory_space<vmem>>
      %dma_start3A_169 = tpu.memref_squeeze %dma_start3A_168 : memref<1x128xi32, #tpu.memory_space<vmem>> -> memref<128xi32, #tpu.memory_space<vmem>>
      %dma_start3A_170 = arith.constant 0 : i32
      %dma_start3A_171 = arith.constant 0 : i32
      %dma_start3A_172 = tpu.memref_slice %arg2[%dma_start3A_170, %dma_start3A_171] : memref<40000x128xf32, #tpu.memory_space<hbm>> -> memref<40000x128xf32, #tpu.memory_space<hbm>>
      tpu.enqueue_indirect_dma source(%dma_start3A_172 : memref<40000x128xf32, #tpu.memory_space<hbm>>) target(%arg9 : memref<128x128xf32, #tpu.memory_space<vmem>>) offsets(%dma_start3A_169 : memref<128xi32, #tpu.memory_space<vmem>>) semaphore(%arg11 : memref<!tpu.dma_semaphore, #tpu.memory_space<semaphore_mem>>)
      %dma_wait3A = arith.constant 0 : i32
      %dma_wait3A_173 = arith.constant 0 : i32
      %dma_wait3A_174 = tpu.memref_slice %arg8[%dma_wait3A, %dma_wait3A_173] : memref<2x128xi32, #tpu.memory_space<vmem>> -> memref<1x128xi32, #tpu.memory_space<vmem>>
      %dma_wait3A_175 = tpu.memref_squeeze %dma_wait3A_174 : memref<1x128xi32, #tpu.memory_space<vmem>> -> memref<128xi32, #tpu.memory_space<vmem>>
      %dma_wait3A_176 = arith.constant 0 : i32
      %dma_wait3A_177 = arith.constant 0 : i32
      %dma_wait3A_178 = tpu.memref_slice %arg2[%dma_wait3A_176, %dma_wait3A_177] : memref<40000x128xf32, #tpu.memory_space<hbm>> -> memref<40000x128xf32, #tpu.memory_space<hbm>>
      tpu.wait_indirect_dma semaphore(%arg11 : memref<!tpu.dma_semaphore, #tpu.memory_space<semaphore_mem>>) src(%dma_wait3A_178 : memref<40000x128xf32, #tpu.memory_space<hbm>>) dst(%arg9 : memref<128x128xf32, #tpu.memory_space<vmem>>)
      %run_scoped3A_179 = arith.constant 1 : i32
      "tpu.region"() ({
        %run_scoped3A_181 = tpu.sem_alloc : memref<!tpu.dma_semaphore, #tpu.memory_space<semaphore_mem>>
        %dma_start3A_182 = arith.constant 0 : i32
        %dma_start3A_183 = tpu.memref_slice %arg8[%run_scoped3A_179, %dma_start3A_182] : memref<2x128xi32, #tpu.memory_space<vmem>> -> memref<1x128xi32, #tpu.memory_space<vmem>>
        %dma_start3A_184 = tpu.memref_squeeze %dma_start3A_183 : memref<1x128xi32, #tpu.memory_space<vmem>> -> memref<128xi32, #tpu.memory_space<vmem>>
        %dma_start3A_185 = arith.constant 0 : i32
        %dma_start3A_186 = arith.constant 0 : i32
        %dma_start3A_187 = tpu.memref_slice %arg7[%dma_start3A_185, %dma_start3A_186] : memref<10112x128xf32, #tpu.memory_space<vmem_shared>> -> memref<10112x128xf32, #tpu.memory_space<vmem_shared>>
        tpu.enqueue_indirect_dma source(%arg9 : memref<128x128xf32, #tpu.memory_space<vmem>>) target(%dma_start3A_187 : memref<10112x128xf32, #tpu.memory_space<vmem_shared>>) offsets(%dma_start3A_184 : memref<128xi32, #tpu.memory_space<vmem>>) semaphore(%run_scoped3A_181 : memref<!tpu.dma_semaphore, #tpu.memory_space<semaphore_mem>>) {add = true}
        %dma_wait3A_188 = arith.constant 0 : i32
        %dma_wait3A_189 = tpu.memref_slice %arg8[%run_scoped3A_179, %dma_wait3A_188] : memref<2x128xi32, #tpu.memory_space<vmem>> -> memref<1x128xi32, #tpu.memory_space<vmem>>
        %dma_wait3A_190 = tpu.memref_squeeze %dma_wait3A_189 : memref<1x128xi32, #tpu.memory_space<vmem>> -> memref<128xi32, #tpu.memory_space<vmem>>
        %dma_wait3A_191 = arith.constant 0 : i32
        %dma_wait3A_192 = arith.constant 0 : i32
        %dma_wait3A_193 = tpu.memref_slice %arg7[%dma_wait3A_191, %dma_wait3A_192] : memref<10112x128xf32, #tpu.memory_space<vmem_shared>> -> memref<10112x128xf32, #tpu.memory_space<vmem_shared>>
        tpu.wait_indirect_dma semaphore(%run_scoped3A_181 : memref<!tpu.dma_semaphore, #tpu.memory_space<semaphore_mem>>) src(%arg9 : memref<128x128xf32, #tpu.memory_space<vmem>>) dst(%dma_wait3A_193 : memref<10112x128xf32, #tpu.memory_space<vmem_shared>>)
        tpu.yield
      }) : () -> ()
      %scan3A_180 = arith.constant 0 : i32
      scf.yield %scan3A_180 : i32
    }
    %scan3A_17 = arith.constant 79 : i32
    %barrier3A_18 = arith.constant 0 : index
    tpu.barrier barrier_id(%barrier3A_18)
    %run_scoped3A_19 = arith.constant 1 : i32
    "tpu.region"() ({
      %run_scoped3A_60 = tpu.sem_alloc : memref<!tpu.dma_semaphore, #tpu.memory_space<semaphore_mem>>
      %dma_start3A = arith.constant 0 : i32
      %dma_start3A_61 = tpu.memref_slice %arg6[%arg0, %run_scoped3A_19, %mul3A_0, %dma_start3A] : memref<2x6x10112x128xf32, #tpu.memory_space<hbm>> -> memref<1x1x632x128xf32, #tpu.memory_space<hbm>>
      %dma_start3A_62 = tpu.memref_squeeze %dma_start3A_61 : memref<1x1x632x128xf32, #tpu.memory_space<hbm>> -> memref<632x128xf32, #tpu.memory_space<hbm>>
      %dma_start3A_63 = arith.constant 0 : i32
      %dma_start3A_64 = tpu.memref_slice %arg7[%mul3A_0, %dma_start3A_63] : memref<10112x128xf32, #tpu.memory_space<vmem_shared>> -> memref<632x128xf32, #tpu.memory_space<vmem_shared>>
      tpu.enqueue_dma source(%dma_start3A_64 : memref<632x128xf32, #tpu.memory_space<vmem_shared>>) target(%dma_start3A_62 : memref<632x128xf32, #tpu.memory_space<hbm>>) target_semaphore(%run_scoped3A_60 : memref<!tpu.dma_semaphore, #tpu.memory_space<semaphore_mem>>)
      %dma_wait3A = arith.constant 0 : i32
      %dma_wait3A_65 = tpu.memref_slice %arg6[%arg0, %run_scoped3A_19, %mul3A_0, %dma_wait3A] : memref<2x6x10112x128xf32, #tpu.memory_space<hbm>> -> memref<1x1x632x128xf32, #tpu.memory_space<hbm>>
      %dma_wait3A_66 = tpu.memref_squeeze %dma_wait3A_65 : memref<1x1x632x128xf32, #tpu.memory_space<hbm>> -> memref<632x128xf32, #tpu.memory_space<hbm>>
      %dma_wait3A_67 = arith.constant 0 : i32
      %dma_wait3A_68 = tpu.memref_slice %arg7[%mul3A_0, %dma_wait3A_67] : memref<10112x128xf32, #tpu.memory_space<vmem_shared>> -> memref<632x128xf32, #tpu.memory_space<vmem_shared>>
      tpu.wait_dma2 semaphore(%run_scoped3A_60 : memref<!tpu.dma_semaphore, #tpu.memory_space<semaphore_mem>>) src(%dma_wait3A_68 : memref<632x128xf32, #tpu.memory_space<vmem_shared>>) dst(%dma_wait3A_66 : memref<632x128xf32, #tpu.memory_space<hbm>>)
      tpu.yield
    }) : () -> ()
    "tpu.region"() ({
      %run_scoped3A_60 = tpu.sem_alloc : memref<!tpu.dma_semaphore, #tpu.memory_space<semaphore_mem>>
      %dma_start3A = arith.constant 0 : i32
      %dma_start3A_61 = tpu.memref_slice %arg7[%mul3A_0, %dma_start3A] : memref<10112x128xf32, #tpu.memory_space<vmem_shared>> -> memref<632x128xf32, #tpu.memory_space<vmem_shared>>
      tpu.enqueue_dma source(%arg4 : memref<632x128xf32, #tpu.memory_space<hbm>>) target(%dma_start3A_61 : memref<632x128xf32, #tpu.memory_space<vmem_shared>>) target_semaphore(%run_scoped3A_60 : memref<!tpu.dma_semaphore, #tpu.memory_space<semaphore_mem>>)
      %dma_wait3A = arith.constant 0 : i32
      %dma_wait3A_62 = tpu.memref_slice %arg7[%mul3A_0, %dma_wait3A] : memref<10112x128xf32, #tpu.memory_space<vmem_shared>> -> memref<632x128xf32, #tpu.memory_space<vmem_shared>>
      tpu.wait_dma2 semaphore(%run_scoped3A_60 : memref<!tpu.dma_semaphore, #tpu.memory_space<semaphore_mem>>) src(%arg4 : memref<632x128xf32, #tpu.memory_space<hbm>>) dst(%dma_wait3A_62 : memref<632x128xf32, #tpu.memory_space<vmem_shared>>)
      tpu.yield
    }) : () -> ()
    %barrier3A_20 = arith.constant 0 : index
    tpu.barrier barrier_id(%barrier3A_20)
    %scan3A_21 = arith.constant 0 : i32
    %scan3A_22 = arith.constant 0 : i32
    %scan3A_23 = arith.constant 79 : i32
    %scan3A_24 = arith.addi %scan3A_22, %scan3A_23 : i32
    %scan3A_25 = arith.constant 1 : i32
    %scan3A_26 = scf.for %scan3A_60 = %scan3A_22 to %scan3A_24 step %scan3A_25 iter_args(%scan3A_61 = %scan3A_21) -> (i32)  : i32 {
      %mul3A_62 = arith.constant 128 : i32
      %mul3A_63 = arith.muli %scan3A_60, %mul3A_62 : i32
      %add3A = arith.addi %mul3A_2, %mul3A_63 : i32
      %run_scoped3A_64 = arith.constant 2 : i32
      "tpu.region"() ({
        %run_scoped3A_181 = tpu.sem_alloc : memref<!tpu.dma_semaphore, #tpu.memory_space<semaphore_mem>>
        %dma_start3A_182 = arith.constant 0 : i32
        %dma_start3A_183 = tpu.memref_slice %arg3[%run_scoped3A_64, %dma_start3A_182, %add3A] : memref<4x2x161792xi32, #tpu.memory_space<hbm>> -> memref<1x2x128xi32, #tpu.memory_space<hbm>>
        %dma_start3A_184 = tpu.memref_squeeze %dma_start3A_183 : memref<1x2x128xi32, #tpu.memory_space<hbm>> -> memref<2x128xi32, #tpu.memory_space<hbm>>
        %dma_start3A_185 = arith.constant 0 : i32
        %dma_start3A_186 = tpu.memref_slice %arg3[%run_scoped3A_64, %dma_start3A_185, %add3A] : memref<4x2x161792xi32, #tpu.memory_space<hbm>> -> memref<1x2x128xi32, #tpu.memory_space<hbm>>
        %dma_start3A_187 = tpu.memref_squeeze %dma_start3A_186 : memref<1x2x128xi32, #tpu.memory_space<hbm>> -> memref<2x128xi32, #tpu.memory_space<hbm>>
        tpu.enqueue_dma source(%dma_start3A_187 : memref<2x128xi32, #tpu.memory_space<hbm>>) target(%arg8 : memref<2x128xi32, #tpu.memory_space<vmem>>) target_semaphore(%run_scoped3A_181 : memref<!tpu.dma_semaphore, #tpu.memory_space<semaphore_mem>>)
        %dma_wait3A_188 = arith.constant 0 : i32
        %dma_wait3A_189 = tpu.memref_slice %arg3[%run_scoped3A_64, %dma_wait3A_188, %add3A] : memref<4x2x161792xi32, #tpu.memory_space<hbm>> -> memref<1x2x128xi32, #tpu.memory_space<hbm>>
        %dma_wait3A_190 = tpu.memref_squeeze %dma_wait3A_189 : memref<1x2x128xi32, #tpu.memory_space<hbm>> -> memref<2x128xi32, #tpu.memory_space<hbm>>
        %dma_wait3A_191 = arith.constant 0 : i32
        %dma_wait3A_192 = tpu.memref_slice %arg3[%run_scoped3A_64, %dma_wait3A_191, %add3A] : memref<4x2x161792xi32, #tpu.memory_space<hbm>> -> memref<1x2x128xi32, #tpu.memory_space<hbm>>
        %dma_wait3A_193 = tpu.memref_squeeze %dma_wait3A_192 : memref<1x2x128xi32, #tpu.memory_space<hbm>> -> memref<2x128xi32, #tpu.memory_space<hbm>>
        tpu.wait_dma2 semaphore(%run_scoped3A_181 : memref<!tpu.dma_semaphore, #tpu.memory_space<semaphore_mem>>) src(%dma_wait3A_193 : memref<2x128xi32, #tpu.memory_space<hbm>>) dst(%arg8 : memref<2x128xi32, #tpu.memory_space<vmem>>)
        tpu.yield
      }) : () -> ()
      %get3A = arith.constant 0 : i32
      %get3A_65 = arith.index_cast %get3A : i32 to index
      %get3A_66 = arith.constant 0 : index
      %get3A_67 = tpu.vector_load %arg8[%get3A_65, %get3A_66] {strides = array<i32>} : memref<2x128xi32, #tpu.memory_space<vmem>>, vector<1x16xi32>,
      %get3A_68 = vector.shape_cast %get3A_67 : vector<1x16xi32> to vector<16xi32>
      %add3A_69 = vector.broadcast %arg0 : i32 to vector<16xi32>
      %add3A_70 = arith.addi %get3A_68, %add3A_69 : vector<16xi32>
      %swap3A = arith.constant 0 : i32
      %swap3A_71 = arith.index_cast %swap3A : i32 to index
      %swap3A_72 = arith.constant 0 : index
      %swap3A_73 = tpu.vector_load %arg8[%swap3A_71, %swap3A_72] {strides = array<i32>} : memref<2x128xi32, #tpu.memory_space<vmem>>, vector<1x16xi32>,
      %swap3A_74 = vector.shape_cast %swap3A_73 : vector<1x16xi32> to vector<16xi32>
      %swap3A_75 = vector.shape_cast %add3A_70 : vector<16xi32> to vector<1x16xi32>
      tpu.vector_store %arg8[%swap3A_71, %swap3A_72], %swap3A_75 {strides = array<i32>} : memref<2x128xi32, #tpu.memory_space<vmem>>, vector<1x16xi32>,
      %get3A_76 = arith.constant 0 : i32
      %get3A_77 = arith.index_cast %get3A_76 : i32 to index
      %get3A_78 = arith.constant 16 : index
      %get3A_79 = tpu.vector_load %arg8[%get3A_77, %get3A_78] {strides = array<i32>} : memref<2x128xi32, #tpu.memory_space<vmem>>, vector<1x16xi32>,
      %get3A_80 = vector.shape_cast %get3A_79 : vector<1x16xi32> to vector<16xi32>
      %add3A_81 = vector.broadcast %arg0 : i32 to vector<16xi32>
      %add3A_82 = arith.addi %get3A_80, %add3A_81 : vector<16xi32>
      %swap3A_83 = arith.constant 0 : i32
      %swap3A_84 = arith.index_cast %swap3A_83 : i32 to index
      %swap3A_85 = arith.constant 16 : index
      %swap3A_86 = tpu.vector_load %arg8[%swap3A_84, %swap3A_85] {strides = array<i32>} : memref<2x128xi32, #tpu.memory_space<vmem>>, vector<1x16xi32>,
      %swap3A_87 = vector.shape_cast %swap3A_86 : vector<1x16xi32> to vector<16xi32>
      %swap3A_88 = vector.shape_cast %add3A_82 : vector<16xi32> to vector<1x16xi32>
      tpu.vector_store %arg8[%swap3A_84, %swap3A_85], %swap3A_88 {strides = array<i32>} : memref<2x128xi32, #tpu.memory_space<vmem>>, vector<1x16xi32>,
      %get3A_89 = arith.constant 0 : i32
      %get3A_90 = arith.index_cast %get3A_89 : i32 to index
      %get3A_91 = arith.constant 32 : index
      %get3A_92 = tpu.vector_load %arg8[%get3A_90, %get3A_91] {strides = array<i32>} : memref<2x128xi32, #tpu.memory_space<vmem>>, vector<1x16xi32>,
      %get3A_93 = vector.shape_cast %get3A_92 : vector<1x16xi32> to vector<16xi32>
      %add3A_94 = vector.broadcast %arg0 : i32 to vector<16xi32>
      %add3A_95 = arith.addi %get3A_93, %add3A_94 : vector<16xi32>
      %swap3A_96 = arith.constant 0 : i32
      %swap3A_97 = arith.index_cast %swap3A_96 : i32 to index
      %swap3A_98 = arith.constant 32 : index
      %swap3A_99 = tpu.vector_load %arg8[%swap3A_97, %swap3A_98] {strides = array<i32>} : memref<2x128xi32, #tpu.memory_space<vmem>>, vector<1x16xi32>,
      %swap3A_100 = vector.shape_cast %swap3A_99 : vector<1x16xi32> to vector<16xi32>
      %swap3A_101 = vector.shape_cast %add3A_95 : vector<16xi32> to vector<1x16xi32>
      tpu.vector_store %arg8[%swap3A_97, %swap3A_98], %swap3A_101 {strides = array<i32>} : memref<2x128xi32, #tpu.memory_space<vmem>>, vector<1x16xi32>,
      %get3A_102 = arith.constant 0 : i32
      %get3A_103 = arith.index_cast %get3A_102 : i32 to index
      %get3A_104 = arith.constant 48 : index
      %get3A_105 = tpu.vector_load %arg8[%get3A_103, %get3A_104] {strides = array<i32>} : memref<2x128xi32, #tpu.memory_space<vmem>>, vector<1x16xi32>,
      %get3A_106 = vector.shape_cast %get3A_105 : vector<1x16xi32> to vector<16xi32>
      %add3A_107 = vector.broadcast %arg0 : i32 to vector<16xi32>
      %add3A_108 = arith.addi %get3A_106, %add3A_107 : vector<16xi32>
      %swap3A_109 = arith.constant 0 : i32
      %swap3A_110 = arith.index_cast %swap3A_109 : i32 to index
      %swap3A_111 = arith.constant 48 : index
      %swap3A_112 = tpu.vector_load %arg8[%swap3A_110, %swap3A_111] {strides = array<i32>} : memref<2x128xi32, #tpu.memory_space<vmem>>, vector<1x16xi32>,
      %swap3A_113 = vector.shape_cast %swap3A_112 : vector<1x16xi32> to vector<16xi32>
      %swap3A_114 = vector.shape_cast %add3A_108 : vector<16xi32> to vector<1x16xi32>
      tpu.vector_store %arg8[%swap3A_110, %swap3A_111], %swap3A_114 {strides = array<i32>} : memref<2x128xi32, #tpu.memory_space<vmem>>, vector<1x16xi32>,
      %get3A_115 = arith.constant 0 : i32
      %get3A_116 = arith.index_cast %get3A_115 : i32 to index
      %get3A_117 = arith.constant 64 : index
      %get3A_118 = tpu.vector_load %arg8[%get3A_116, %get3A_117] {strides = array<i32>} : memref<2x128xi32, #tpu.memory_space<vmem>>, vector<1x16xi32>,
      %get3A_119 = vector.shape_cast %get3A_118 : vector<1x16xi32> to vector<16xi32>
      %add3A_120 = vector.broadcast %arg0 : i32 to vector<16xi32>
      %add3A_121 = arith.addi %get3A_119, %add3A_120 : vector<16xi32>
      %swap3A_122 = arith.constant 0 : i32
      %swap3A_123 = arith.index_cast %swap3A_122 : i32 to index
      %swap3A_124 = arith.constant 64 : index
      %swap3A_125 = tpu.vector_load %arg8[%swap3A_123, %swap3A_124] {strides = array<i32>} : memref<2x128xi32, #tpu.memory_space<vmem>>, vector<1x16xi32>,
      %swap3A_126 = vector.shape_cast %swap3A_125 : vector<1x16xi32> to vector<16xi32>
      %swap3A_127 = vector.shape_cast %add3A_121 : vector<16xi32> to vector<1x16xi32>
      tpu.vector_store %arg8[%swap3A_123, %swap3A_124], %swap3A_127 {strides = array<i32>} : memref<2x128xi32, #tpu.memory_space<vmem>>, vector<1x16xi32>,
      %get3A_128 = arith.constant 0 : i32
      %get3A_129 = arith.index_cast %get3A_128 : i32 to index
      %get3A_130 = arith.constant 80 : index
      %get3A_131 = tpu.vector_load %arg8[%get3A_129, %get3A_130] {strides = array<i32>} : memref<2x128xi32, #tpu.memory_space<vmem>>, vector<1x16xi32>,
      %get3A_132 = vector.shape_cast %get3A_131 : vector<1x16xi32> to vector<16xi32>
      %add3A_133 = vector.broadcast %arg0 : i32 to vector<16xi32>
      %add3A_134 = arith.addi %get3A_132, %add3A_133 : vector<16xi32>
      %swap3A_135 = arith.constant 0 : i32
      %swap3A_136 = arith.index_cast %swap3A_135 : i32 to index
      %swap3A_137 = arith.constant 80 : index
      %swap3A_138 = tpu.vector_load %arg8[%swap3A_136, %swap3A_137] {strides = array<i32>} : memref<2x128xi32, #tpu.memory_space<vmem>>, vector<1x16xi32>,
      %swap3A_139 = vector.shape_cast %swap3A_138 : vector<1x16xi32> to vector<16xi32>
      %swap3A_140 = vector.shape_cast %add3A_134 : vector<16xi32> to vector<1x16xi32>
      tpu.vector_store %arg8[%swap3A_136, %swap3A_137], %swap3A_140 {strides = array<i32>} : memref<2x128xi32, #tpu.memory_space<vmem>>, vector<1x16xi32>,
      %get3A_141 = arith.constant 0 : i32
      %get3A_142 = arith.index_cast %get3A_141 : i32 to index
      %get3A_143 = arith.constant 96 : index
      %get3A_144 = tpu.vector_load %arg8[%get3A_142, %get3A_143] {strides = array<i32>} : memref<2x128xi32, #tpu.memory_space<vmem>>, vector<1x16xi32>,
      %get3A_145 = vector.shape_cast %get3A_144 : vector<1x16xi32> to vector<16xi32>
      %add3A_146 = vector.broadcast %arg0 : i32 to vector<16xi32>
      %add3A_147 = arith.addi %get3A_145, %add3A_146 : vector<16xi32>
      %swap3A_148 = arith.constant 0 : i32
      %swap3A_149 = arith.index_cast %swap3A_148 : i32 to index
      %swap3A_150 = arith.constant 96 : index
      %swap3A_151 = tpu.vector_load %arg8[%swap3A_149, %swap3A_150] {strides = array<i32>} : memref<2x128xi32, #tpu.memory_space<vmem>>, vector<1x16xi32>,
      %swap3A_152 = vector.shape_cast %swap3A_151 : vector<1x16xi32> to vector<16xi32>
      %swap3A_153 = vector.shape_cast %add3A_147 : vector<16xi32> to vector<1x16xi32>
      tpu.vector_store %arg8[%swap3A_149, %swap3A_150], %swap3A_153 {strides = array<i32>} : memref<2x128xi32, #tpu.memory_space<vmem>>, vector<1x16xi32>,
      %get3A_154 = arith.constant 0 : i32
      %get3A_155 = arith.index_cast %get3A_154 : i32 to index
      %get3A_156 = arith.constant 112 : index
      %get3A_157 = tpu.vector_load %arg8[%get3A_155, %get3A_156] {strides = array<i32>} : memref<2x128xi32, #tpu.memory_space<vmem>>, vector<1x16xi32>,
      %get3A_158 = vector.shape_cast %get3A_157 : vector<1x16xi32> to vector<16xi32>
      %add3A_159 = vector.broadcast %arg0 : i32 to vector<16xi32>
      %add3A_160 = arith.addi %get3A_158, %add3A_159 : vector<16xi32>
      %swap3A_161 = arith.constant 0 : i32
      %swap3A_162 = arith.index_cast %swap3A_161 : i32 to index
      %swap3A_163 = arith.constant 112 : index
      %swap3A_164 = tpu.vector_load %arg8[%swap3A_162, %swap3A_163] {strides = array<i32>} : memref<2x128xi32, #tpu.memory_space<vmem>>, vector<1x16xi32>,
      %swap3A_165 = vector.shape_cast %swap3A_164 : vector<1x16xi32> to vector<16xi32>
      %swap3A_166 = vector.shape_cast %add3A_160 : vector<16xi32> to vector<1x16xi32>
      tpu.vector_store %arg8[%swap3A_162, %swap3A_163], %swap3A_166 {strides = array<i32>} : memref<2x128xi32, #tpu.memory_space<vmem>>, vector<1x16xi32>,
      %dma_start3A = arith.constant 0 : i32
      %dma_start3A_167 = arith.constant 0 : i32
      %dma_start3A_168 = tpu.memref_slice %arg8[%dma_start3A, %dma_start3A_167] : memref<2x128xi32, #tpu.memory_space<vmem>> -> memref<1x128xi32, #tpu.memory_space<vmem>>
      %dma_start3A_169 = tpu.memref_squeeze %dma_start3A_168 : memref<1x128xi32, #tpu.memory_space<vmem>> -> memref<128xi32, #tpu.memory_space<vmem>>
      %dma_start3A_170 = arith.constant 0 : i32
      %dma_start3A_171 = arith.constant 0 : i32
      %dma_start3A_172 = tpu.memref_slice %arg2[%dma_start3A_170, %dma_start3A_171] : memref<40000x128xf32, #tpu.memory_space<hbm>> -> memref<40000x128xf32, #tpu.memory_space<hbm>>
      tpu.enqueue_indirect_dma source(%dma_start3A_172 : memref<40000x128xf32, #tpu.memory_space<hbm>>) target(%arg9 : memref<128x128xf32, #tpu.memory_space<vmem>>) offsets(%dma_start3A_169 : memref<128xi32, #tpu.memory_space<vmem>>) semaphore(%arg11 : memref<!tpu.dma_semaphore, #tpu.memory_space<semaphore_mem>>)
      %dma_wait3A = arith.constant 0 : i32
      %dma_wait3A_173 = arith.constant 0 : i32
      %dma_wait3A_174 = tpu.memref_slice %arg8[%dma_wait3A, %dma_wait3A_173] : memref<2x128xi32, #tpu.memory_space<vmem>> -> memref<1x128xi32, #tpu.memory_space<vmem>>
      %dma_wait3A_175 = tpu.memref_squeeze %dma_wait3A_174 : memref<1x128xi32, #tpu.memory_space<vmem>> -> memref<128xi32, #tpu.memory_space<vmem>>
      %dma_wait3A_176 = arith.constant 0 : i32
      %dma_wait3A_177 = arith.constant 0 : i32
      %dma_wait3A_178 = tpu.memref_slice %arg2[%dma_wait3A_176, %dma_wait3A_177] : memref<40000x128xf32, #tpu.memory_space<hbm>> -> memref<40000x128xf32, #tpu.memory_space<hbm>>
      tpu.wait_indirect_dma semaphore(%arg11 : memref<!tpu.dma_semaphore, #tpu.memory_space<semaphore_mem>>) src(%dma_wait3A_178 : memref<40000x128xf32, #tpu.memory_space<hbm>>) dst(%arg9 : memref<128x128xf32, #tpu.memory_space<vmem>>)
      %run_scoped3A_179 = arith.constant 1 : i32
      "tpu.region"() ({
        %run_scoped3A_181 = tpu.sem_alloc : memref<!tpu.dma_semaphore, #tpu.memory_space<semaphore_mem>>
        %dma_start3A_182 = arith.constant 0 : i32
        %dma_start3A_183 = tpu.memref_slice %arg8[%run_scoped3A_179, %dma_start3A_182] : memref<2x128xi32, #tpu.memory_space<vmem>> -> memref<1x128xi32, #tpu.memory_space<vmem>>
        %dma_start3A_184 = tpu.memref_squeeze %dma_start3A_183 : memref<1x128xi32, #tpu.memory_space<vmem>> -> memref<128xi32, #tpu.memory_space<vmem>>
        %dma_start3A_185 = arith.constant 0 : i32
        %dma_start3A_186 = arith.constant 0 : i32
        %dma_start3A_187 = tpu.memref_slice %arg7[%dma_start3A_185, %dma_start3A_186] : memref<10112x128xf32, #tpu.memory_space<vmem_shared>> -> memref<10112x128xf32, #tpu.memory_space<vmem_shared>>
        tpu.enqueue_indirect_dma source(%arg9 : memref<128x128xf32, #tpu.memory_space<vmem>>) target(%dma_start3A_187 : memref<10112x128xf32, #tpu.memory_space<vmem_shared>>) offsets(%dma_start3A_184 : memref<128xi32, #tpu.memory_space<vmem>>) semaphore(%run_scoped3A_181 : memref<!tpu.dma_semaphore, #tpu.memory_space<semaphore_mem>>) {add = true}
        %dma_wait3A_188 = arith.constant 0 : i32
        %dma_wait3A_189 = tpu.memref_slice %arg8[%run_scoped3A_179, %dma_wait3A_188] : memref<2x128xi32, #tpu.memory_space<vmem>> -> memref<1x128xi32, #tpu.memory_space<vmem>>
        %dma_wait3A_190 = tpu.memref_squeeze %dma_wait3A_189 : memref<1x128xi32, #tpu.memory_space<vmem>> -> memref<128xi32, #tpu.memory_space<vmem>>
        %dma_wait3A_191 = arith.constant 0 : i32
        %dma_wait3A_192 = arith.constant 0 : i32
        %dma_wait3A_193 = tpu.memref_slice %arg7[%dma_wait3A_191, %dma_wait3A_192] : memref<10112x128xf32, #tpu.memory_space<vmem_shared>> -> memref<10112x128xf32, #tpu.memory_space<vmem_shared>>
        tpu.wait_indirect_dma semaphore(%run_scoped3A_181 : memref<!tpu.dma_semaphore, #tpu.memory_space<semaphore_mem>>) src(%arg9 : memref<128x128xf32, #tpu.memory_space<vmem>>) dst(%dma_wait3A_193 : memref<10112x128xf32, #tpu.memory_space<vmem_shared>>)
        tpu.yield
      }) : () -> ()
      %scan3A_180 = arith.constant 0 : i32
      scf.yield %scan3A_180 : i32
    }
    %scan3A_27 = arith.constant 79 : i32
    %barrier3A_28 = arith.constant 0 : index
    tpu.barrier barrier_id(%barrier3A_28)
    %run_scoped3A_29 = arith.constant 2 : i32
    "tpu.region"() ({
      %run_scoped3A_60 = tpu.sem_alloc : memref<!tpu.dma_semaphore, #tpu.memory_space<semaphore_mem>>
      %dma_start3A = arith.constant 0 : i32
      %dma_start3A_61 = tpu.memref_slice %arg6[%arg0, %run_scoped3A_29, %mul3A_0, %dma_start3A] : memref<2x6x10112x128xf32, #tpu.memory_space<hbm>> -> memref<1x1x632x128xf32, #tpu.memory_space<hbm>>
      %dma_start3A_62 = tpu.memref_squeeze %dma_start3A_61 : memref<1x1x632x128xf32, #tpu.memory_space<hbm>> -> memref<632x128xf32, #tpu.memory_space<hbm>>
      %dma_start3A_63 = arith.constant 0 : i32
      %dma_start3A_64 = tpu.memref_slice %arg7[%mul3A_0, %dma_start3A_63] : memref<10112x128xf32, #tpu.memory_space<vmem_shared>> -> memref<632x128xf32, #tpu.memory_space<vmem_shared>>
      tpu.enqueue_dma source(%dma_start3A_64 : memref<632x128xf32, #tpu.memory_space<vmem_shared>>) target(%dma_start3A_62 : memref<632x128xf32, #tpu.memory_space<hbm>>) target_semaphore(%run_scoped3A_60 : memref<!tpu.dma_semaphore, #tpu.memory_space<semaphore_mem>>)
      %dma_wait3A = arith.constant 0 : i32
      %dma_wait3A_65 = tpu.memref_slice %arg6[%arg0, %run_scoped3A_29, %mul3A_0, %dma_wait3A] : memref<2x6x10112x128xf32, #tpu.memory_space<hbm>> -> memref<1x1x632x128xf32, #tpu.memory_space<hbm>>
      %dma_wait3A_66 = tpu.memref_squeeze %dma_wait3A_65 : memref<1x1x632x128xf32, #tpu.memory_space<hbm>> -> memref<632x128xf32, #tpu.memory_space<hbm>>
      %dma_wait3A_67 = arith.constant 0 : i32
      %dma_wait3A_68 = tpu.memref_slice %arg7[%mul3A_0, %dma_wait3A_67] : memref<10112x128xf32, #tpu.memory_space<vmem_shared>> -> memref<632x128xf32, #tpu.memory_space<vmem_shared>>
      tpu.wait_dma2 semaphore(%run_scoped3A_60 : memref<!tpu.dma_semaphore, #tpu.memory_space<semaphore_mem>>) src(%dma_wait3A_68 : memref<632x128xf32, #tpu.memory_space<vmem_shared>>) dst(%dma_wait3A_66 : memref<632x128xf32, #tpu.memory_space<hbm>>)
      tpu.yield
    }) : () -> ()
    "tpu.region"() ({
      %run_scoped3A_60 = tpu.sem_alloc : memref<!tpu.dma_semaphore, #tpu.memory_space<semaphore_mem>>
      %dma_start3A = arith.constant 0 : i32
      %dma_start3A_61 = tpu.memref_slice %arg7[%mul3A_0, %dma_start3A] : memref<10112x128xf32, #tpu.memory_space<vmem_shared>> -> memref<632x128xf32, #tpu.memory_space<vmem_shared>>
      tpu.enqueue_dma source(%arg4 : memref<632x128xf32, #tpu.memory_space<hbm>>) target(%dma_start3A_61 : memref<632x128xf32, #tpu.memory_space<vmem_shared>>) target_semaphore(%run_scoped3A_60 : memref<!tpu.dma_semaphore, #tpu.memory_space<semaphore_mem>>)
      %dma_wait3A = arith.constant 0 : i32
      %dma_wait3A_62 = tpu.memref_slice %arg7[%mul3A_0, %dma_wait3A] : memref<10112x128xf32, #tpu.memory_space<vmem_shared>> -> memref<632x128xf32, #tpu.memory_space<vmem_shared>>
      tpu.wait_dma2 semaphore(%run_scoped3A_60 : memref<!tpu.dma_semaphore, #tpu.memory_space<semaphore_mem>>) src(%arg4 : memref<632x128xf32, #tpu.memory_space<hbm>>) dst(%dma_wait3A_62 : memref<632x128xf32, #tpu.memory_space<vmem_shared>>)
      tpu.yield
    }) : () -> ()
    %barrier3A_30 = arith.constant 0 : index
    tpu.barrier barrier_id(%barrier3A_30)
    %scan3A_31 = arith.constant 0 : i32
    %scan3A_32 = arith.constant 0 : i32
    %scan3A_33 = arith.constant 79 : i32
    %scan3A_34 = arith.addi %scan3A_32, %scan3A_33 : i32
    %scan3A_35 = arith.constant 1 : i32
    %scan3A_36 = scf.for %scan3A_60 = %scan3A_32 to %scan3A_34 step %scan3A_35 iter_args(%scan3A_61 = %scan3A_31) -> (i32)  : i32 {
      %mul3A_62 = arith.constant 128 : i32
      %mul3A_63 = arith.muli %scan3A_60, %mul3A_62 : i32
      %add3A = arith.addi %mul3A_2, %mul3A_63 : i32
      %run_scoped3A_64 = arith.constant 3 : i32
      "tpu.region"() ({
        %run_scoped3A_181 = tpu.sem_alloc : memref<!tpu.dma_semaphore, #tpu.memory_space<semaphore_mem>>
        %dma_start3A_182 = arith.constant 0 : i32
        %dma_start3A_183 = tpu.memref_slice %arg3[%run_scoped3A_64, %dma_start3A_182, %add3A] : memref<4x2x161792xi32, #tpu.memory_space<hbm>> -> memref<1x2x128xi32, #tpu.memory_space<hbm>>
        %dma_start3A_184 = tpu.memref_squeeze %dma_start3A_183 : memref<1x2x128xi32, #tpu.memory_space<hbm>> -> memref<2x128xi32, #tpu.memory_space<hbm>>
        %dma_start3A_185 = arith.constant 0 : i32
        %dma_start3A_186 = tpu.memref_slice %arg3[%run_scoped3A_64, %dma_start3A_185, %add3A] : memref<4x2x161792xi32, #tpu.memory_space<hbm>> -> memref<1x2x128xi32, #tpu.memory_space<hbm>>
        %dma_start3A_187 = tpu.memref_squeeze %dma_start3A_186 : memref<1x2x128xi32, #tpu.memory_space<hbm>> -> memref<2x128xi32, #tpu.memory_space<hbm>>
        tpu.enqueue_dma source(%dma_start3A_187 : memref<2x128xi32, #tpu.memory_space<hbm>>) target(%arg8 : memref<2x128xi32, #tpu.memory_space<vmem>>) target_semaphore(%run_scoped3A_181 : memref<!tpu.dma_semaphore, #tpu.memory_space<semaphore_mem>>)
        %dma_wait3A_188 = arith.constant 0 : i32
        %dma_wait3A_189 = tpu.memref_slice %arg3[%run_scoped3A_64, %dma_wait3A_188, %add3A] : memref<4x2x161792xi32, #tpu.memory_space<hbm>> -> memref<1x2x128xi32, #tpu.memory_space<hbm>>
        %dma_wait3A_190 = tpu.memref_squeeze %dma_wait3A_189 : memref<1x2x128xi32, #tpu.memory_space<hbm>> -> memref<2x128xi32, #tpu.memory_space<hbm>>
        %dma_wait3A_191 = arith.constant 0 : i32
        %dma_wait3A_192 = tpu.memref_slice %arg3[%run_scoped3A_64, %dma_wait3A_191, %add3A] : memref<4x2x161792xi32, #tpu.memory_space<hbm>> -> memref<1x2x128xi32, #tpu.memory_space<hbm>>
        %dma_wait3A_193 = tpu.memref_squeeze %dma_wait3A_192 : memref<1x2x128xi32, #tpu.memory_space<hbm>> -> memref<2x128xi32, #tpu.memory_space<hbm>>
        tpu.wait_dma2 semaphore(%run_scoped3A_181 : memref<!tpu.dma_semaphore, #tpu.memory_space<semaphore_mem>>) src(%dma_wait3A_193 : memref<2x128xi32, #tpu.memory_space<hbm>>) dst(%arg8 : memref<2x128xi32, #tpu.memory_space<vmem>>)
        tpu.yield
      }) : () -> ()
      %get3A = arith.constant 0 : i32
      %get3A_65 = arith.index_cast %get3A : i32 to index
      %get3A_66 = arith.constant 0 : index
      %get3A_67 = tpu.vector_load %arg8[%get3A_65, %get3A_66] {strides = array<i32>} : memref<2x128xi32, #tpu.memory_space<vmem>>, vector<1x16xi32>,
      %get3A_68 = vector.shape_cast %get3A_67 : vector<1x16xi32> to vector<16xi32>
      %add3A_69 = vector.broadcast %arg0 : i32 to vector<16xi32>
      %add3A_70 = arith.addi %get3A_68, %add3A_69 : vector<16xi32>
      %swap3A = arith.constant 0 : i32
      %swap3A_71 = arith.index_cast %swap3A : i32 to index
      %swap3A_72 = arith.constant 0 : index
      %swap3A_73 = tpu.vector_load %arg8[%swap3A_71, %swap3A_72] {strides = array<i32>} : memref<2x128xi32, #tpu.memory_space<vmem>>, vector<1x16xi32>,
      %swap3A_74 = vector.shape_cast %swap3A_73 : vector<1x16xi32> to vector<16xi32>
      %swap3A_75 = vector.shape_cast %add3A_70 : vector<16xi32> to vector<1x16xi32>
      tpu.vector_store %arg8[%swap3A_71, %swap3A_72], %swap3A_75 {strides = array<i32>} : memref<2x128xi32, #tpu.memory_space<vmem>>, vector<1x16xi32>,
      %get3A_76 = arith.constant 0 : i32
      %get3A_77 = arith.index_cast %get3A_76 : i32 to index
      %get3A_78 = arith.constant 16 : index
      %get3A_79 = tpu.vector_load %arg8[%get3A_77, %get3A_78] {strides = array<i32>} : memref<2x128xi32, #tpu.memory_space<vmem>>, vector<1x16xi32>,
      %get3A_80 = vector.shape_cast %get3A_79 : vector<1x16xi32> to vector<16xi32>
      %add3A_81 = vector.broadcast %arg0 : i32 to vector<16xi32>
      %add3A_82 = arith.addi %get3A_80, %add3A_81 : vector<16xi32>
      %swap3A_83 = arith.constant 0 : i32
      %swap3A_84 = arith.index_cast %swap3A_83 : i32 to index
      %swap3A_85 = arith.constant 16 : index
      %swap3A_86 = tpu.vector_load %arg8[%swap3A_84, %swap3A_85] {strides = array<i32>} : memref<2x128xi32, #tpu.memory_space<vmem>>, vector<1x16xi32>,
      %swap3A_87 = vector.shape_cast %swap3A_86 : vector<1x16xi32> to vector<16xi32>
      %swap3A_88 = vector.shape_cast %add3A_82 : vector<16xi32> to vector<1x16xi32>
      tpu.vector_store %arg8[%swap3A_84, %swap3A_85], %swap3A_88 {strides = array<i32>} : memref<2x128xi32, #tpu.memory_space<vmem>>, vector<1x16xi32>,
      %get3A_89 = arith.constant 0 : i32
      %get3A_90 = arith.index_cast %get3A_89 : i32 to index
      %get3A_91 = arith.constant 32 : index
      %get3A_92 = tpu.vector_load %arg8[%get3A_90, %get3A_91] {strides = array<i32>} : memref<2x128xi32, #tpu.memory_space<vmem>>, vector<1x16xi32>,
      %get3A_93 = vector.shape_cast %get3A_92 : vector<1x16xi32> to vector<16xi32>
      %add3A_94 = vector.broadcast %arg0 : i32 to vector<16xi32>
      %add3A_95 = arith.addi %get3A_93, %add3A_94 : vector<16xi32>
      %swap3A_96 = arith.constant 0 : i32
      %swap3A_97 = arith.index_cast %swap3A_96 : i32 to index
      %swap3A_98 = arith.constant 32 : index
      %swap3A_99 = tpu.vector_load %arg8[%swap3A_97, %swap3A_98] {strides = array<i32>} : memref<2x128xi32, #tpu.memory_space<vmem>>, vector<1x16xi32>,
      %swap3A_100 = vector.shape_cast %swap3A_99 : vector<1x16xi32> to vector<16xi32>
      %swap3A_101 = vector.shape_cast %add3A_95 : vector<16xi32> to vector<1x16xi32>
      tpu.vector_store %arg8[%swap3A_97, %swap3A_98], %swap3A_101 {strides = array<i32>} : memref<2x128xi32, #tpu.memory_space<vmem>>, vector<1x16xi32>,
      %get3A_102 = arith.constant 0 : i32
      %get3A_103 = arith.index_cast %get3A_102 : i32 to index
      %get3A_104 = arith.constant 48 : index
      %get3A_105 = tpu.vector_load %arg8[%get3A_103, %get3A_104] {strides = array<i32>} : memref<2x128xi32, #tpu.memory_space<vmem>>, vector<1x16xi32>,
      %get3A_106 = vector.shape_cast %get3A_105 : vector<1x16xi32> to vector<16xi32>
      %add3A_107 = vector.broadcast %arg0 : i32 to vector<16xi32>
      %add3A_108 = arith.addi %get3A_106, %add3A_107 : vector<16xi32>
      %swap3A_109 = arith.constant 0 : i32
      %swap3A_110 = arith.index_cast %swap3A_109 : i32 to index
      %swap3A_111 = arith.constant 48 : index
      %swap3A_112 = tpu.vector_load %arg8[%swap3A_110, %swap3A_111] {strides = array<i32>} : memref<2x128xi32, #tpu.memory_space<vmem>>, vector<1x16xi32>,
      %swap3A_113 = vector.shape_cast %swap3A_112 : vector<1x16xi32> to vector<16xi32>
      %swap3A_114 = vector.shape_cast %add3A_108 : vector<16xi32> to vector<1x16xi32>
      tpu.vector_store %arg8[%swap3A_110, %swap3A_111], %swap3A_114 {strides = array<i32>} : memref<2x128xi32, #tpu.memory_space<vmem>>, vector<1x16xi32>,
      %get3A_115 = arith.constant 0 : i32
      %get3A_116 = arith.index_cast %get3A_115 : i32 to index
      %get3A_117 = arith.constant 64 : index
      %get3A_118 = tpu.vector_load %arg8[%get3A_116, %get3A_117] {strides = array<i32>} : memref<2x128xi32, #tpu.memory_space<vmem>>, vector<1x16xi32>,
      %get3A_119 = vector.shape_cast %get3A_118 : vector<1x16xi32> to vector<16xi32>
      %add3A_120 = vector.broadcast %arg0 : i32 to vector<16xi32>
      %add3A_121 = arith.addi %get3A_119, %add3A_120 : vector<16xi32>
      %swap3A_122 = arith.constant 0 : i32
      %swap3A_123 = arith.index_cast %swap3A_122 : i32 to index
      %swap3A_124 = arith.constant 64 : index
      %swap3A_125 = tpu.vector_load %arg8[%swap3A_123, %swap3A_124] {strides = array<i32>} : memref<2x128xi32, #tpu.memory_space<vmem>>, vector<1x16xi32>,
      %swap3A_126 = vector.shape_cast %swap3A_125 : vector<1x16xi32> to vector<16xi32>
      %swap3A_127 = vector.shape_cast %add3A_121 : vector<16xi32> to vector<1x16xi32>
      tpu.vector_store %arg8[%swap3A_123, %swap3A_124], %swap3A_127 {strides = array<i32>} : memref<2x128xi32, #tpu.memory_space<vmem>>, vector<1x16xi32>,
      %get3A_128 = arith.constant 0 : i32
      %get3A_129 = arith.index_cast %get3A_128 : i32 to index
      %get3A_130 = arith.constant 80 : index
      %get3A_131 = tpu.vector_load %arg8[%get3A_129, %get3A_130] {strides = array<i32>} : memref<2x128xi32, #tpu.memory_space<vmem>>, vector<1x16xi32>,
      %get3A_132 = vector.shape_cast %get3A_131 : vector<1x16xi32> to vector<16xi32>
      %add3A_133 = vector.broadcast %arg0 : i32 to vector<16xi32>
      %add3A_134 = arith.addi %get3A_132, %add3A_133 : vector<16xi32>
      %swap3A_135 = arith.constant 0 : i32
      %swap3A_136 = arith.index_cast %swap3A_135 : i32 to index
      %swap3A_137 = arith.constant 80 : index
      %swap3A_138 = tpu.vector_load %arg8[%swap3A_136, %swap3A_137] {strides = array<i32>} : memref<2x128xi32, #tpu.memory_space<vmem>>, vector<1x16xi32>,
      %swap3A_139 = vector.shape_cast %swap3A_138 : vector<1x16xi32> to vector<16xi32>
      %swap3A_140 = vector.shape_cast %add3A_134 : vector<16xi32> to vector<1x16xi32>
      tpu.vector_store %arg8[%swap3A_136, %swap3A_137], %swap3A_140 {strides = array<i32>} : memref<2x128xi32, #tpu.memory_space<vmem>>, vector<1x16xi32>,
      %get3A_141 = arith.constant 0 : i32
      %get3A_142 = arith.index_cast %get3A_141 : i32 to index
      %get3A_143 = arith.constant 96 : index
      %get3A_144 = tpu.vector_load %arg8[%get3A_142, %get3A_143] {strides = array<i32>} : memref<2x128xi32, #tpu.memory_space<vmem>>, vector<1x16xi32>,
      %get3A_145 = vector.shape_cast %get3A_144 : vector<1x16xi32> to vector<16xi32>
      %add3A_146 = vector.broadcast %arg0 : i32 to vector<16xi32>
      %add3A_147 = arith.addi %get3A_145, %add3A_146 : vector<16xi32>
      %swap3A_148 = arith.constant 0 : i32
      %swap3A_149 = arith.index_cast %swap3A_148 : i32 to index
      %swap3A_150 = arith.constant 96 : index
      %swap3A_151 = tpu.vector_load %arg8[%swap3A_149, %swap3A_150] {strides = array<i32>} : memref<2x128xi32, #tpu.memory_space<vmem>>, vector<1x16xi32>,
      %swap3A_152 = vector.shape_cast %swap3A_151 : vector<1x16xi32> to vector<16xi32>
      %swap3A_153 = vector.shape_cast %add3A_147 : vector<16xi32> to vector<1x16xi32>
      tpu.vector_store %arg8[%swap3A_149, %swap3A_150], %swap3A_153 {strides = array<i32>} : memref<2x128xi32, #tpu.memory_space<vmem>>, vector<1x16xi32>,
      %get3A_154 = arith.constant 0 : i32
      %get3A_155 = arith.index_cast %get3A_154 : i32 to index
      %get3A_156 = arith.constant 112 : index
      %get3A_157 = tpu.vector_load %arg8[%get3A_155, %get3A_156] {strides = array<i32>} : memref<2x128xi32, #tpu.memory_space<vmem>>, vector<1x16xi32>,
      %get3A_158 = vector.shape_cast %get3A_157 : vector<1x16xi32> to vector<16xi32>
      %add3A_159 = vector.broadcast %arg0 : i32 to vector<16xi32>
      %add3A_160 = arith.addi %get3A_158, %add3A_159 : vector<16xi32>
      %swap3A_161 = arith.constant 0 : i32
      %swap3A_162 = arith.index_cast %swap3A_161 : i32 to index
      %swap3A_163 = arith.constant 112 : index
      %swap3A_164 = tpu.vector_load %arg8[%swap3A_162, %swap3A_163] {strides = array<i32>} : memref<2x128xi32, #tpu.memory_space<vmem>>, vector<1x16xi32>,
      %swap3A_165 = vector.shape_cast %swap3A_164 : vector<1x16xi32> to vector<16xi32>
      %swap3A_166 = vector.shape_cast %add3A_160 : vector<16xi32> to vector<1x16xi32>
      tpu.vector_store %arg8[%swap3A_162, %swap3A_163], %swap3A_166 {strides = array<i32>} : memref<2x128xi32, #tpu.memory_space<vmem>>, vector<1x16xi32>,
      %dma_start3A = arith.constant 0 : i32
      %dma_start3A_167 = arith.constant 0 : i32
      %dma_start3A_168 = tpu.memref_slice %arg8[%dma_start3A, %dma_start3A_167] : memref<2x128xi32, #tpu.memory_space<vmem>> -> memref<1x128xi32, #tpu.memory_space<vmem>>
      %dma_start3A_169 = tpu.memref_squeeze %dma_start3A_168 : memref<1x128xi32, #tpu.memory_space<vmem>> -> memref<128xi32, #tpu.memory_space<vmem>>
      %dma_start3A_170 = arith.constant 0 : i32
      %dma_start3A_171 = arith.constant 0 : i32
      %dma_start3A_172 = tpu.memref_slice %arg2[%dma_start3A_170, %dma_start3A_171] : memref<40000x128xf32, #tpu.memory_space<hbm>> -> memref<40000x128xf32, #tpu.memory_space<hbm>>
      tpu.enqueue_indirect_dma source(%dma_start3A_172 : memref<40000x128xf32, #tpu.memory_space<hbm>>) target(%arg9 : memref<128x128xf32, #tpu.memory_space<vmem>>) offsets(%dma_start3A_169 : memref<128xi32, #tpu.memory_space<vmem>>) semaphore(%arg11 : memref<!tpu.dma_semaphore, #tpu.memory_space<semaphore_mem>>)
      %dma_wait3A = arith.constant 0 : i32
      %dma_wait3A_173 = arith.constant 0 : i32
      %dma_wait3A_174 = tpu.memref_slice %arg8[%dma_wait3A, %dma_wait3A_173] : memref<2x128xi32, #tpu.memory_space<vmem>> -> memref<1x128xi32, #tpu.memory_space<vmem>>
      %dma_wait3A_175 = tpu.memref_squeeze %dma_wait3A_174 : memref<1x128xi32, #tpu.memory_space<vmem>> -> memref<128xi32, #tpu.memory_space<vmem>>
      %dma_wait3A_176 = arith.constant 0 : i32
      %dma_wait3A_177 = arith.constant 0 : i32
      %dma_wait3A_178 = tpu.memref_slice %arg2[%dma_wait3A_176, %dma_wait3A_177] : memref<40000x128xf32, #tpu.memory_space<hbm>> -> memref<40000x128xf32, #tpu.memory_space<hbm>>
      tpu.wait_indirect_dma semaphore(%arg11 : memref<!tpu.dma_semaphore, #tpu.memory_space<semaphore_mem>>) src(%dma_wait3A_178 : memref<40000x128xf32, #tpu.memory_space<hbm>>) dst(%arg9 : memref<128x128xf32, #tpu.memory_space<vmem>>)
      %run_scoped3A_179 = arith.constant 1 : i32
      "tpu.region"() ({
        %run_scoped3A_181 = tpu.sem_alloc : memref<!tpu.dma_semaphore, #tpu.memory_space<semaphore_mem>>
        %dma_start3A_182 = arith.constant 0 : i32
        %dma_start3A_183 = tpu.memref_slice %arg8[%run_scoped3A_179, %dma_start3A_182] : memref<2x128xi32, #tpu.memory_space<vmem>> -> memref<1x128xi32, #tpu.memory_space<vmem>>
        %dma_start3A_184 = tpu.memref_squeeze %dma_start3A_183 : memref<1x128xi32, #tpu.memory_space<vmem>> -> memref<128xi32, #tpu.memory_space<vmem>>
        %dma_start3A_185 = arith.constant 0 : i32
        %dma_start3A_186 = arith.constant 0 : i32
        %dma_start3A_187 = tpu.memref_slice %arg7[%dma_start3A_185, %dma_start3A_186] : memref<10112x128xf32, #tpu.memory_space<vmem_shared>> -> memref<10112x128xf32, #tpu.memory_space<vmem_shared>>
        tpu.enqueue_indirect_dma source(%arg9 : memref<128x128xf32, #tpu.memory_space<vmem>>) target(%dma_start3A_187 : memref<10112x128xf32, #tpu.memory_space<vmem_shared>>) offsets(%dma_start3A_184 : memref<128xi32, #tpu.memory_space<vmem>>) semaphore(%run_scoped3A_181 : memref<!tpu.dma_semaphore, #tpu.memory_space<semaphore_mem>>) {add = true}
        %dma_wait3A_188 = arith.constant 0 : i32
        %dma_wait3A_189 = tpu.memref_slice %arg8[%run_scoped3A_179, %dma_wait3A_188] : memref<2x128xi32, #tpu.memory_space<vmem>> -> memref<1x128xi32, #tpu.memory_space<vmem>>
        %dma_wait3A_190 = tpu.memref_squeeze %dma_wait3A_189 : memref<1x128xi32, #tpu.memory_space<vmem>> -> memref<128xi32, #tpu.memory_space<vmem>>
        %dma_wait3A_191 = arith.constant 0 : i32
        %dma_wait3A_192 = arith.constant 0 : i32
        %dma_wait3A_193 = tpu.memref_slice %arg7[%dma_wait3A_191, %dma_wait3A_192] : memref<10112x128xf32, #tpu.memory_space<vmem_shared>> -> memref<10112x128xf32, #tpu.memory_space<vmem_shared>>
        tpu.wait_indirect_dma semaphore(%run_scoped3A_181 : memref<!tpu.dma_semaphore, #tpu.memory_space<semaphore_mem>>) src(%arg9 : memref<128x128xf32, #tpu.memory_space<vmem>>) dst(%dma_wait3A_193 : memref<10112x128xf32, #tpu.memory_space<vmem_shared>>)
        tpu.yield
      }) : () -> ()
      %scan3A_180 = arith.constant 0 : i32
      scf.yield %scan3A_180 : i32
    }
    %scan3A_37 = arith.constant 79 : i32
    %barrier3A_38 = arith.constant 0 : index
    tpu.barrier barrier_id(%barrier3A_38)
    %run_scoped3A_39 = arith.constant 3 : i32
    "tpu.region"() ({
      %run_scoped3A_60 = tpu.sem_alloc : memref<!tpu.dma_semaphore, #tpu.memory_space<semaphore_mem>>
      %dma_start3A = arith.constant 0 : i32
      %dma_start3A_61 = tpu.memref_slice %arg6[%arg0, %run_scoped3A_39, %mul3A_0, %dma_start3A] : memref<2x6x10112x128xf32, #tpu.memory_space<hbm>> -> memref<1x1x632x128xf32, #tpu.memory_space<hbm>>
      %dma_start3A_62 = tpu.memref_squeeze %dma_start3A_61 : memref<1x1x632x128xf32, #tpu.memory_space<hbm>> -> memref<632x128xf32, #tpu.memory_space<hbm>>
      %dma_start3A_63 = arith.constant 0 : i32
      %dma_start3A_64 = tpu.memref_slice %arg7[%mul3A_0, %dma_start3A_63] : memref<10112x128xf32, #tpu.memory_space<vmem_shared>> -> memref<632x128xf32, #tpu.memory_space<vmem_shared>>
      tpu.enqueue_dma source(%dma_start3A_64 : memref<632x128xf32, #tpu.memory_space<vmem_shared>>) target(%dma_start3A_62 : memref<632x128xf32, #tpu.memory_space<hbm>>) target_semaphore(%run_scoped3A_60 : memref<!tpu.dma_semaphore, #tpu.memory_space<semaphore_mem>>)
      %dma_wait3A = arith.constant 0 : i32
      %dma_wait3A_65 = tpu.memref_slice %arg6[%arg0, %run_scoped3A_39, %mul3A_0, %dma_wait3A] : memref<2x6x10112x128xf32, #tpu.memory_space<hbm>> -> memref<1x1x632x128xf32, #tpu.memory_space<hbm>>
      %dma_wait3A_66 = tpu.memref_squeeze %dma_wait3A_65 : memref<1x1x632x128xf32, #tpu.memory_space<hbm>> -> memref<632x128xf32, #tpu.memory_space<hbm>>
      %dma_wait3A_67 = arith.constant 0 : i32
      %dma_wait3A_68 = tpu.memref_slice %arg7[%mul3A_0, %dma_wait3A_67] : memref<10112x128xf32, #tpu.memory_space<vmem_shared>> -> memref<632x128xf32, #tpu.memory_space<vmem_shared>>
      tpu.wait_dma2 semaphore(%run_scoped3A_60 : memref<!tpu.dma_semaphore, #tpu.memory_space<semaphore_mem>>) src(%dma_wait3A_68 : memref<632x128xf32, #tpu.memory_space<vmem_shared>>) dst(%dma_wait3A_66 : memref<632x128xf32, #tpu.memory_space<hbm>>)
      tpu.yield
    }) : () -> ()
    "tpu.region"() ({
      %run_scoped3A_60 = tpu.sem_alloc : memref<!tpu.dma_semaphore, #tpu.memory_space<semaphore_mem>>
      %dma_start3A = arith.constant 0 : i32
      %dma_start3A_61 = tpu.memref_slice %arg7[%mul3A_0, %dma_start3A] : memref<10112x128xf32, #tpu.memory_space<vmem_shared>> -> memref<632x128xf32, #tpu.memory_space<vmem_shared>>
      tpu.enqueue_dma source(%arg4 : memref<632x128xf32, #tpu.memory_space<hbm>>) target(%dma_start3A_61 : memref<632x128xf32, #tpu.memory_space<vmem_shared>>) target_semaphore(%run_scoped3A_60 : memref<!tpu.dma_semaphore, #tpu.memory_space<semaphore_mem>>)
      %dma_wait3A = arith.constant 0 : i32
      %dma_wait3A_62 = tpu.memref_slice %arg7[%mul3A_0, %dma_wait3A] : memref<10112x128xf32, #tpu.memory_space<vmem_shared>> -> memref<632x128xf32, #tpu.memory_space<vmem_shared>>
      tpu.wait_dma2 semaphore(%run_scoped3A_60 : memref<!tpu.dma_semaphore, #tpu.memory_space<semaphore_mem>>) src(%arg4 : memref<632x128xf32, #tpu.memory_space<hbm>>) dst(%dma_wait3A_62 : memref<632x128xf32, #tpu.memory_space<vmem_shared>>)
      tpu.yield
    }) : () -> ()
    %barrier3A_40 = arith.constant 0 : index
    tpu.barrier barrier_id(%barrier3A_40)
    %scan3A_41 = arith.constant 0 : i32
    %scan3A_42 = arith.constant 0 : i32
    %scan3A_43 = arith.constant 79 : i32
    %scan3A_44 = arith.addi %scan3A_42, %scan3A_43 : i32
    %scan3A_45 = arith.constant 1 : i32
    %scan3A_46 = scf.for %scan3A_60 = %scan3A_42 to %scan3A_44 step %scan3A_45 iter_args(%scan3A_61 = %scan3A_41) -> (i32)  : i32 {
      %mul3A_62 = arith.constant 128 : i32
      %mul3A_63 = arith.muli %scan3A_60, %mul3A_62 : i32
      %add3A = arith.addi %mul3A_2, %mul3A_63 : i32
      %mul3A_64 = arith.constant 2 : i32
      %mul3A_65 = arith.muli %mul3A_64, %arg0 : i32
      %add3A_66 = arith.constant 0 : i32
      %add3A_67 = arith.addi %mul3A_65, %add3A_66 : i32
      %run_scoped3A_68 = arith.constant 1 : i32
      %run_scoped3A_69 = arith.constant 1 : i32
      "tpu.region"() ({
        %run_scoped3A_72 = tpu.sem_alloc : memref<!tpu.dma_semaphore, #tpu.memory_space<semaphore_mem>>
        %dma_start3A = arith.constant 0 : i32
        %dma_start3A_73 = tpu.memref_slice %arg8[%run_scoped3A_69, %dma_start3A] : memref<2x128xi32, #tpu.memory_space<vmem>> -> memref<1x128xi32, #tpu.memory_space<vmem>>
        %dma_start3A_74 = tpu.memref_squeeze %dma_start3A_73 : memref<1x128xi32, #tpu.memory_space<vmem>> -> memref<128xi32, #tpu.memory_space<vmem>>
        %dma_start3A_75 = tpu.memref_slice %arg3[%add3A_67, %run_scoped3A_68, %add3A] : memref<4x2x161792xi32, #tpu.memory_space<hbm>> -> memref<1x1x128xi32, #tpu.memory_space<hbm>>
        %dma_start3A_76 = tpu.memref_squeeze %dma_start3A_75 : memref<1x1x128xi32, #tpu.memory_space<hbm>> -> memref<128xi32, #tpu.memory_space<hbm>>
        %dma_start3A_77 = arith.constant 0 : i32
        %dma_start3A_78 = tpu.memref_slice %arg8[%run_scoped3A_69, %dma_start3A_77] : memref<2x128xi32, #tpu.memory_space<vmem>> -> memref<1x128xi32, #tpu.memory_space<vmem>>
        %dma_start3A_79 = tpu.memref_squeeze %dma_start3A_78 : memref<1x128xi32, #tpu.memory_space<vmem>> -> memref<128xi32, #tpu.memory_space<vmem>>
        %dma_start3A_80 = tpu.memref_slice %arg3[%add3A_67, %run_scoped3A_68, %add3A] : memref<4x2x161792xi32, #tpu.memory_space<hbm>> -> memref<1x1x128xi32, #tpu.memory_space<hbm>>
        %dma_start3A_81 = tpu.memref_squeeze %dma_start3A_80 : memref<1x1x128xi32, #tpu.memory_space<hbm>> -> memref<128xi32, #tpu.memory_space<hbm>>
        tpu.enqueue_dma source(%dma_start3A_81 : memref<128xi32, #tpu.memory_space<hbm>>) target(%dma_start3A_79 : memref<128xi32, #tpu.memory_space<vmem>>) target_semaphore(%run_scoped3A_72 : memref<!tpu.dma_semaphore, #tpu.memory_space<semaphore_mem>>)
        %dma_wait3A = arith.constant 0 : i32
        %dma_wait3A_82 = tpu.memref_slice %arg8[%run_scoped3A_69, %dma_wait3A] : memref<2x128xi32, #tpu.memory_space<vmem>> -> memref<1x128xi32, #tpu.memory_space<vmem>>
        %dma_wait3A_83 = tpu.memref_squeeze %dma_wait3A_82 : memref<1x128xi32, #tpu.memory_space<vmem>> -> memref<128xi32, #tpu.memory_space<vmem>>
        %dma_wait3A_84 = tpu.memref_slice %arg3[%add3A_67, %run_scoped3A_68, %add3A] : memref<4x2x161792xi32, #tpu.memory_space<hbm>> -> memref<1x1x128xi32, #tpu.memory_space<hbm>>
        %dma_wait3A_85 = tpu.memref_squeeze %dma_wait3A_84 : memref<1x1x128xi32, #tpu.memory_space<hbm>> -> memref<128xi32, #tpu.memory_space<hbm>>
        %dma_wait3A_86 = arith.constant 0 : i32
        %dma_wait3A_87 = tpu.memref_slice %arg8[%run_scoped3A_69, %dma_wait3A_86] : memref<2x128xi32, #tpu.memory_space<vmem>> -> memref<1x128xi32, #tpu.memory_space<vmem>>
        %dma_wait3A_88 = tpu.memref_squeeze %dma_wait3A_87 : memref<1x128xi32, #tpu.memory_space<vmem>> -> memref<128xi32, #tpu.memory_space<vmem>>
        %dma_wait3A_89 = tpu.memref_slice %arg3[%add3A_67, %run_scoped3A_68, %add3A] : memref<4x2x161792xi32, #tpu.memory_space<hbm>> -> memref<1x1x128xi32, #tpu.memory_space<hbm>>
        %dma_wait3A_90 = tpu.memref_squeeze %dma_wait3A_89 : memref<1x1x128xi32, #tpu.memory_space<hbm>> -> memref<128xi32, #tpu.memory_space<hbm>>
        tpu.wait_dma2 semaphore(%run_scoped3A_72 : memref<!tpu.dma_semaphore, #tpu.memory_space<semaphore_mem>>) src(%dma_wait3A_90 : memref<128xi32, #tpu.memory_space<hbm>>) dst(%dma_wait3A_88 : memref<128xi32, #tpu.memory_space<vmem>>)
        tpu.yield
      }) : () -> ()
      %run_scoped3A_70 = arith.constant 1 : i32
      "tpu.region"() ({
        %run_scoped3A_72 = tpu.sem_alloc : memref<!tpu.dma_semaphore, #tpu.memory_space<semaphore_mem>>
        %dma_start3A = arith.constant 0 : i32
        %dma_start3A_73 = tpu.memref_slice %arg8[%run_scoped3A_70, %dma_start3A] : memref<2x128xi32, #tpu.memory_space<vmem>> -> memref<1x128xi32, #tpu.memory_space<vmem>>
        %dma_start3A_74 = tpu.memref_squeeze %dma_start3A_73 : memref<1x128xi32, #tpu.memory_space<vmem>> -> memref<128xi32, #tpu.memory_space<vmem>>
        %dma_start3A_75 = arith.constant 0 : i32
        %dma_start3A_76 = arith.constant 0 : i32
        %dma_start3A_77 = tpu.memref_slice %arg7[%dma_start3A_75, %dma_start3A_76] : memref<10112x128xf32, #tpu.memory_space<vmem_shared>> -> memref<10112x128xf32, #tpu.memory_space<vmem_shared>>
        tpu.enqueue_indirect_dma source(%arg10 : memref<128x128xf32, #tpu.memory_space<vmem>>) target(%dma_start3A_77 : memref<10112x128xf32, #tpu.memory_space<vmem_shared>>) offsets(%dma_start3A_74 : memref<128xi32, #tpu.memory_space<vmem>>) semaphore(%run_scoped3A_72 : memref<!tpu.dma_semaphore, #tpu.memory_space<semaphore_mem>>) {add = true}
        %dma_wait3A = arith.constant 0 : i32
        %dma_wait3A_78 = tpu.memref_slice %arg8[%run_scoped3A_70, %dma_wait3A] : memref<2x128xi32, #tpu.memory_space<vmem>> -> memref<1x128xi32, #tpu.memory_space<vmem>>
        %dma_wait3A_79 = tpu.memref_squeeze %dma_wait3A_78 : memref<1x128xi32, #tpu.memory_space<vmem>> -> memref<128xi32, #tpu.memory_space<vmem>>
        %dma_wait3A_80 = arith.constant 0 : i32
        %dma_wait3A_81 = arith.constant 0 : i32
        %dma_wait3A_82 = tpu.memref_slice %arg7[%dma_wait3A_80, %dma_wait3A_81] : memref<10112x128xf32, #tpu.memory_space<vmem_shared>> -> memref<10112x128xf32, #tpu.memory_space<vmem_shared>>
        tpu.wait_indirect_dma semaphore(%run_scoped3A_72 : memref<!tpu.dma_semaphore, #tpu.memory_space<semaphore_mem>>) src(%arg10 : memref<128x128xf32, #tpu.memory_space<vmem>>) dst(%dma_wait3A_82 : memref<10112x128xf32, #tpu.memory_space<vmem_shared>>)
        tpu.yield
      }) : () -> ()
      %scan3A_71 = arith.constant 0 : i32
      scf.yield %scan3A_71 : i32
    }
    %scan3A_47 = arith.constant 79 : i32
    %barrier3A_48 = arith.constant 0 : index
    tpu.barrier barrier_id(%barrier3A_48)
    %run_scoped3A_49 = arith.constant 4 : i32
    "tpu.region"() ({
      %run_scoped3A_60 = tpu.sem_alloc : memref<!tpu.dma_semaphore, #tpu.memory_space<semaphore_mem>>
      %dma_start3A = arith.constant 0 : i32
      %dma_start3A_61 = tpu.memref_slice %arg6[%arg0, %run_scoped3A_49, %mul3A_0, %dma_start3A] : memref<2x6x10112x128xf32, #tpu.memory_space<hbm>> -> memref<1x1x632x128xf32, #tpu.memory_space<hbm>>
      %dma_start3A_62 = tpu.memref_squeeze %dma_start3A_61 : memref<1x1x632x128xf32, #tpu.memory_space<hbm>> -> memref<632x128xf32, #tpu.memory_space<hbm>>
      %dma_start3A_63 = arith.constant 0 : i32
      %dma_start3A_64 = tpu.memref_slice %arg7[%mul3A_0, %dma_start3A_63] : memref<10112x128xf32, #tpu.memory_space<vmem_shared>> -> memref<632x128xf32, #tpu.memory_space<vmem_shared>>
      tpu.enqueue_dma source(%dma_start3A_64 : memref<632x128xf32, #tpu.memory_space<vmem_shared>>) target(%dma_start3A_62 : memref<632x128xf32, #tpu.memory_space<hbm>>) target_semaphore(%run_scoped3A_60 : memref<!tpu.dma_semaphore, #tpu.memory_space<semaphore_mem>>)
      %dma_wait3A = arith.constant 0 : i32
      %dma_wait3A_65 = tpu.memref_slice %arg6[%arg0, %run_scoped3A_49, %mul3A_0, %dma_wait3A] : memref<2x6x10112x128xf32, #tpu.memory_space<hbm>> -> memref<1x1x632x128xf32, #tpu.memory_space<hbm>>
      %dma_wait3A_66 = tpu.memref_squeeze %dma_wait3A_65 : memref<1x1x632x128xf32, #tpu.memory_space<hbm>> -> memref<632x128xf32, #tpu.memory_space<hbm>>
      %dma_wait3A_67 = arith.constant 0 : i32
      %dma_wait3A_68 = tpu.memref_slice %arg7[%mul3A_0, %dma_wait3A_67] : memref<10112x128xf32, #tpu.memory_space<vmem_shared>> -> memref<632x128xf32, #tpu.memory_space<vmem_shared>>
      tpu.wait_dma2 semaphore(%run_scoped3A_60 : memref<!tpu.dma_semaphore, #tpu.memory_space<semaphore_mem>>) src(%dma_wait3A_68 : memref<632x128xf32, #tpu.memory_space<vmem_shared>>) dst(%dma_wait3A_66 : memref<632x128xf32, #tpu.memory_space<hbm>>)
      tpu.yield
    }) : () -> ()
    "tpu.region"() ({
      %run_scoped3A_60 = tpu.sem_alloc : memref<!tpu.dma_semaphore, #tpu.memory_space<semaphore_mem>>
      %dma_start3A = arith.constant 0 : i32
      %dma_start3A_61 = tpu.memref_slice %arg7[%mul3A_0, %dma_start3A] : memref<10112x128xf32, #tpu.memory_space<vmem_shared>> -> memref<632x128xf32, #tpu.memory_space<vmem_shared>>
      tpu.enqueue_dma source(%arg4 : memref<632x128xf32, #tpu.memory_space<hbm>>) target(%dma_start3A_61 : memref<632x128xf32, #tpu.memory_space<vmem_shared>>) target_semaphore(%run_scoped3A_60 : memref<!tpu.dma_semaphore, #tpu.memory_space<semaphore_mem>>)
      %dma_wait3A = arith.constant 0 : i32
      %dma_wait3A_62 = tpu.memref_slice %arg7[%mul3A_0, %dma_wait3A] : memref<10112x128xf32, #tpu.memory_space<vmem_shared>> -> memref<632x128xf32, #tpu.memory_space<vmem_shared>>
      tpu.wait_dma2 semaphore(%run_scoped3A_60 : memref<!tpu.dma_semaphore, #tpu.memory_space<semaphore_mem>>) src(%arg4 : memref<632x128xf32, #tpu.memory_space<hbm>>) dst(%dma_wait3A_62 : memref<632x128xf32, #tpu.memory_space<vmem_shared>>)
      tpu.yield
    }) : () -> ()
    %barrier3A_50 = arith.constant 0 : index
    tpu.barrier barrier_id(%barrier3A_50)
    %scan3A_51 = arith.constant 0 : i32
    %scan3A_52 = arith.constant 0 : i32
    %scan3A_53 = arith.constant 79 : i32
    %scan3A_54 = arith.addi %scan3A_52, %scan3A_53 : i32
    %scan3A_55 = arith.constant 1 : i32
    %scan3A_56 = scf.for %scan3A_60 = %scan3A_52 to %scan3A_54 step %scan3A_55 iter_args(%scan3A_61 = %scan3A_51) -> (i32)  : i32 {
      %mul3A_62 = arith.constant 128 : i32
      %mul3A_63 = arith.muli %scan3A_60, %mul3A_62 : i32
      %add3A = arith.addi %mul3A_2, %mul3A_63 : i32
      %mul3A_64 = arith.constant 2 : i32
      %mul3A_65 = arith.muli %mul3A_64, %arg0 : i32
      %add3A_66 = arith.constant 1 : i32
      %add3A_67 = arith.addi %mul3A_65, %add3A_66 : i32
      %run_scoped3A_68 = arith.constant 1 : i32
      %run_scoped3A_69 = arith.constant 1 : i32
      "tpu.region"() ({
        %run_scoped3A_72 = tpu.sem_alloc : memref<!tpu.dma_semaphore, #tpu.memory_space<semaphore_mem>>
        %dma_start3A = arith.constant 0 : i32
        %dma_start3A_73 = tpu.memref_slice %arg8[%run_scoped3A_69, %dma_start3A] : memref<2x128xi32, #tpu.memory_space<vmem>> -> memref<1x128xi32, #tpu.memory_space<vmem>>
        %dma_start3A_74 = tpu.memref_squeeze %dma_start3A_73 : memref<1x128xi32, #tpu.memory_space<vmem>> -> memref<128xi32, #tpu.memory_space<vmem>>
        %dma_start3A_75 = tpu.memref_slice %arg3[%add3A_67, %run_scoped3A_68, %add3A] : memref<4x2x161792xi32, #tpu.memory_space<hbm>> -> memref<1x1x128xi32, #tpu.memory_space<hbm>>
        %dma_start3A_76 = tpu.memref_squeeze %dma_start3A_75 : memref<1x1x128xi32, #tpu.memory_space<hbm>> -> memref<128xi32, #tpu.memory_space<hbm>>
        %dma_start3A_77 = arith.constant 0 : i32
        %dma_start3A_78 = tpu.memref_slice %arg8[%run_scoped3A_69, %dma_start3A_77] : memref<2x128xi32, #tpu.memory_space<vmem>> -> memref<1x128xi32, #tpu.memory_space<vmem>>
        %dma_start3A_79 = tpu.memref_squeeze %dma_start3A_78 : memref<1x128xi32, #tpu.memory_space<vmem>> -> memref<128xi32, #tpu.memory_space<vmem>>
        %dma_start3A_80 = tpu.memref_slice %arg3[%add3A_67, %run_scoped3A_68, %add3A] : memref<4x2x161792xi32, #tpu.memory_space<hbm>> -> memref<1x1x128xi32, #tpu.memory_space<hbm>>
        %dma_start3A_81 = tpu.memref_squeeze %dma_start3A_80 : memref<1x1x128xi32, #tpu.memory_space<hbm>> -> memref<128xi32, #tpu.memory_space<hbm>>
        tpu.enqueue_dma source(%dma_start3A_81 : memref<128xi32, #tpu.memory_space<hbm>>) target(%dma_start3A_79 : memref<128xi32, #tpu.memory_space<vmem>>) target_semaphore(%run_scoped3A_72 : memref<!tpu.dma_semaphore, #tpu.memory_space<semaphore_mem>>)
        %dma_wait3A = arith.constant 0 : i32
        %dma_wait3A_82 = tpu.memref_slice %arg8[%run_scoped3A_69, %dma_wait3A] : memref<2x128xi32, #tpu.memory_space<vmem>> -> memref<1x128xi32, #tpu.memory_space<vmem>>
        %dma_wait3A_83 = tpu.memref_squeeze %dma_wait3A_82 : memref<1x128xi32, #tpu.memory_space<vmem>> -> memref<128xi32, #tpu.memory_space<vmem>>
        %dma_wait3A_84 = tpu.memref_slice %arg3[%add3A_67, %run_scoped3A_68, %add3A] : memref<4x2x161792xi32, #tpu.memory_space<hbm>> -> memref<1x1x128xi32, #tpu.memory_space<hbm>>
        %dma_wait3A_85 = tpu.memref_squeeze %dma_wait3A_84 : memref<1x1x128xi32, #tpu.memory_space<hbm>> -> memref<128xi32, #tpu.memory_space<hbm>>
        %dma_wait3A_86 = arith.constant 0 : i32
        %dma_wait3A_87 = tpu.memref_slice %arg8[%run_scoped3A_69, %dma_wait3A_86] : memref<2x128xi32, #tpu.memory_space<vmem>> -> memref<1x128xi32, #tpu.memory_space<vmem>>
        %dma_wait3A_88 = tpu.memref_squeeze %dma_wait3A_87 : memref<1x128xi32, #tpu.memory_space<vmem>> -> memref<128xi32, #tpu.memory_space<vmem>>
        %dma_wait3A_89 = tpu.memref_slice %arg3[%add3A_67, %run_scoped3A_68, %add3A] : memref<4x2x161792xi32, #tpu.memory_space<hbm>> -> memref<1x1x128xi32, #tpu.memory_space<hbm>>
        %dma_wait3A_90 = tpu.memref_squeeze %dma_wait3A_89 : memref<1x1x128xi32, #tpu.memory_space<hbm>> -> memref<128xi32, #tpu.memory_space<hbm>>
        tpu.wait_dma2 semaphore(%run_scoped3A_72 : memref<!tpu.dma_semaphore, #tpu.memory_space<semaphore_mem>>) src(%dma_wait3A_90 : memref<128xi32, #tpu.memory_space<hbm>>) dst(%dma_wait3A_88 : memref<128xi32, #tpu.memory_space<vmem>>)
        tpu.yield
      }) : () -> ()
      %run_scoped3A_70 = arith.constant 1 : i32
      "tpu.region"() ({
        %run_scoped3A_72 = tpu.sem_alloc : memref<!tpu.dma_semaphore, #tpu.memory_space<semaphore_mem>>
        %dma_start3A = arith.constant 0 : i32
        %dma_start3A_73 = tpu.memref_slice %arg8[%run_scoped3A_70, %dma_start3A] : memref<2x128xi32, #tpu.memory_space<vmem>> -> memref<1x128xi32, #tpu.memory_space<vmem>>
        %dma_start3A_74 = tpu.memref_squeeze %dma_start3A_73 : memref<1x128xi32, #tpu.memory_space<vmem>> -> memref<128xi32, #tpu.memory_space<vmem>>
        %dma_start3A_75 = arith.constant 0 : i32
        %dma_start3A_76 = arith.constant 0 : i32
        %dma_start3A_77 = tpu.memref_slice %arg7[%dma_start3A_75, %dma_start3A_76] : memref<10112x128xf32, #tpu.memory_space<vmem_shared>> -> memref<10112x128xf32, #tpu.memory_space<vmem_shared>>
        tpu.enqueue_indirect_dma source(%arg10 : memref<128x128xf32, #tpu.memory_space<vmem>>) target(%dma_start3A_77 : memref<10112x128xf32, #tpu.memory_space<vmem_shared>>) offsets(%dma_start3A_74 : memref<128xi32, #tpu.memory_space<vmem>>) semaphore(%run_scoped3A_72 : memref<!tpu.dma_semaphore, #tpu.memory_space<semaphore_mem>>) {add = true}
        %dma_wait3A = arith.constant 0 : i32
        %dma_wait3A_78 = tpu.memref_slice %arg8[%run_scoped3A_70, %dma_wait3A] : memref<2x128xi32, #tpu.memory_space<vmem>> -> memref<1x128xi32, #tpu.memory_space<vmem>>
        %dma_wait3A_79 = tpu.memref_squeeze %dma_wait3A_78 : memref<1x128xi32, #tpu.memory_space<vmem>> -> memref<128xi32, #tpu.memory_space<vmem>>
        %dma_wait3A_80 = arith.constant 0 : i32
        %dma_wait3A_81 = arith.constant 0 : i32
        %dma_wait3A_82 = tpu.memref_slice %arg7[%dma_wait3A_80, %dma_wait3A_81] : memref<10112x128xf32, #tpu.memory_space<vmem_shared>> -> memref<10112x128xf32, #tpu.memory_space<vmem_shared>>
        tpu.wait_indirect_dma semaphore(%run_scoped3A_72 : memref<!tpu.dma_semaphore, #tpu.memory_space<semaphore_mem>>) src(%arg10 : memref<128x128xf32, #tpu.memory_space<vmem>>) dst(%dma_wait3A_82 : memref<10112x128xf32, #tpu.memory_space<vmem_shared>>)
        tpu.yield
      }) : () -> ()
      %scan3A_71 = arith.constant 0 : i32
      scf.yield %scan3A_71 : i32
    }
    %scan3A_57 = arith.constant 79 : i32
    %barrier3A_58 = arith.constant 0 : index
    tpu.barrier barrier_id(%barrier3A_58)
    %run_scoped3A_59 = arith.constant 5 : i32
    "tpu.region"() ({
      %run_scoped3A_60 = tpu.sem_alloc : memref<!tpu.dma_semaphore, #tpu.memory_space<semaphore_mem>>
      %dma_start3A = arith.constant 0 : i32
      %dma_start3A_61 = tpu.memref_slice %arg6[%arg0, %run_scoped3A_59, %mul3A_0, %dma_start3A] : memref<2x6x10112x128xf32, #tpu.memory_space<hbm>> -> memref<1x1x632x128xf32, #tpu.memory_space<hbm>>
      %dma_start3A_62 = tpu.memref_squeeze %dma_start3A_61 : memref<1x1x632x128xf32, #tpu.memory_space<hbm>> -> memref<632x128xf32, #tpu.memory_space<hbm>>
      %dma_start3A_63 = arith.constant 0 : i32
      %dma_start3A_64 = tpu.memref_slice %arg7[%mul3A_0, %dma_start3A_63] : memref<10112x128xf32, #tpu.memory_space<vmem_shared>> -> memref<632x128xf32, #tpu.memory_space<vmem_shared>>
      tpu.enqueue_dma source(%dma_start3A_64 : memref<632x128xf32, #tpu.memory_space<vmem_shared>>) target(%dma_start3A_62 : memref<632x128xf32, #tpu.memory_space<hbm>>) target_semaphore(%run_scoped3A_60 : memref<!tpu.dma_semaphore, #tpu.memory_space<semaphore_mem>>)
      %dma_wait3A = arith.constant 0 : i32
      %dma_wait3A_65 = tpu.memref_slice %arg6[%arg0, %run_scoped3A_59, %mul3A_0, %dma_wait3A] : memref<2x6x10112x128xf32, #tpu.memory_space<hbm>> -> memref<1x1x632x128xf32, #tpu.memory_space<hbm>>
      %dma_wait3A_66 = tpu.memref_squeeze %dma_wait3A_65 : memref<1x1x632x128xf32, #tpu.memory_space<hbm>> -> memref<632x128xf32, #tpu.memory_space<hbm>>
      %dma_wait3A_67 = arith.constant 0 : i32
      %dma_wait3A_68 = tpu.memref_slice %arg7[%mul3A_0, %dma_wait3A_67] : memref<10112x128xf32, #tpu.memory_space<vmem_shared>> -> memref<632x128xf32, #tpu.memory_space<vmem_shared>>
      tpu.wait_dma2 semaphore(%run_scoped3A_60 : memref<!tpu.dma_semaphore, #tpu.memory_space<semaphore_mem>>) src(%dma_wait3A_68 : memref<632x128xf32, #tpu.memory_space<vmem_shared>>) dst(%dma_wait3A_66 : memref<632x128xf32, #tpu.memory_space<hbm>>)
      tpu.yield
    }) : () -> ()
    return
  }
}

module attributes {stable_mosaic.version = 14 : i64} {
  func.func @_tc_body(%arg0: i32, %arg1: memref<2000x256xf32, #tpu.memory_space<vmem>>, %arg2: memref<1x1x2000x128xf32, #tpu.memory_space<vmem>>, %arg3: memref<1x1x2000x128xf32, #tpu.memory_space<vmem>>, %arg4: memref<1x1x2000x128xf32, #tpu.memory_space<vmem>>, %arg5: memref<1x1x2000x128xf32, #tpu.memory_space<vmem>>, %arg6: memref<1x1x2000x128xf32, #tpu.memory_space<vmem>>, %arg7: memref<1x1x2000x128xf32, #tpu.memory_space<vmem>>, %arg8: memref<256x256xf32, #tpu.memory_space<vmem>>, %arg9: memref<256x256xf32, #tpu.memory_space<vmem>>, %arg10: memref<256x256xf32, #tpu.memory_space<vmem>>, %arg11: memref<256x256xf32, #tpu.memory_space<vmem>>, %arg12: memref<1x256xf32, #tpu.memory_space<vmem>>, %arg13: memref<1x256xf32, #tpu.memory_space<vmem>>, %arg14: memref<2000x256xf32, #tpu.memory_space<vmem>>) attributes {dimension_semantics = [#tpu.dimension_semantics<arbitrary>], iteration_bounds = array<i64: 5>, scalar_prefetch = 0 : i64, scratch_operands = 0 : i64, tpu.core_type = #tpu.core_type<tc>, window_params = [{transform_indices = @transform_0, window_bounds = array<i64: 2000, 256>}, {transform_indices = @transform_1, window_bounds = array<i64: 1, 1, 2000, 128>}, {transform_indices = @transform_2, window_bounds = array<i64: 1, 1, 2000, 128>}, {transform_indices = @transform_3, window_bounds = array<i64: 1, 1, 2000, 128>}, {transform_indices = @transform_4, window_bounds = array<i64: 1, 1, 2000, 128>}, {transform_indices = @transform_5, window_bounds = array<i64: 1, 1, 2000, 128>}, {transform_indices = @transform_6, window_bounds = array<i64: 1, 1, 2000, 128>}, {pipeline_mode = #tpu.pipeline_mode<synchronous>, transform_indices = @transform_7, window_bounds = array<i64: 256, 256>}, {pipeline_mode = #tpu.pipeline_mode<synchronous>, transform_indices = @transform_8, window_bounds = array<i64: 256, 256>}, {pipeline_mode = #tpu.pipeline_mode<synchronous>, transform_indices = @transform_9, window_bounds = array<i64: 256, 256>}, {pipeline_mode = #tpu.pipeline_mode<synchronous>, transform_indices = @transform_10, window_bounds = array<i64: 256, 256>}, {pipeline_mode = #tpu.pipeline_mode<synchronous>, transform_indices = @transform_11, window_bounds = array<i64: 1, 256>}, {pipeline_mode = #tpu.pipeline_mode<synchronous>, transform_indices = @transform_12, window_bounds = array<i64: 1, 256>}, {transform_indices = @transform_13, window_bounds = array<i64: 2000, 256>}]} {
    %get3A = arith.constant 0 : index
    %get3A_0 = arith.constant 0 : index
    %get3A_1 = arith.constant 0 : index
    %get3A_2 = arith.constant 0 : index
    %get3A_3 = vector.load %arg6[%get3A, %get3A_0, %get3A_1, %get3A_2] : memref<1x1x2000x128xf32, #tpu.memory_space<vmem>>, vector<1x1x2000x128xf32>
    %get3A_4 = vector.shape_cast %get3A_3 : vector<1x1x2000x128xf32> to vector<2000x128xf32>
    %slice3A = vector.extract_strided_slice %get3A_4 {offsets = [0, 0], sizes = [2000, 1], strides = [1, 1]} : vector<2000x128xf32> to vector<2000x1xf32>
    %max3A = arith.constant 1.000000e+00 : f32
    %max3A_5 = vector.broadcast %max3A : f32 to vector<2000x1xf32>
    %max3A_6 = arith.maximumf %slice3A, %max3A_5 : vector<2000x1xf32>
    %div3A = arith.constant 1.000000e+00 : f32
    %div3A_7 = vector.broadcast %div3A : f32 to vector<2000x1xf32>
    %div3A_8 = arith.divf %div3A_7, %max3A_6 : vector<2000x1xf32>
    %get3A_9 = arith.constant 0 : index
    %get3A_10 = arith.constant 0 : index
    %get3A_11 = arith.constant 0 : index
    %get3A_12 = arith.constant 0 : index
    %get3A_13 = vector.load %arg7[%get3A_9, %get3A_10, %get3A_11, %get3A_12] : memref<1x1x2000x128xf32, #tpu.memory_space<vmem>>, vector<1x1x2000x128xf32>
    %get3A_14 = vector.shape_cast %get3A_13 : vector<1x1x2000x128xf32> to vector<2000x128xf32>
    %slice3A_15 = vector.extract_strided_slice %get3A_14 {offsets = [0, 0], sizes = [2000, 1], strides = [1, 1]} : vector<2000x128xf32> to vector<2000x1xf32>
    %max3A_16 = arith.constant 1.000000e+00 : f32
    %max3A_17 = vector.broadcast %max3A_16 : f32 to vector<2000x1xf32>
    %max3A_18 = arith.maximumf %slice3A_15, %max3A_17 : vector<2000x1xf32>
    %div3A_19 = arith.constant 1.000000e+00 : f32
    %div3A_20 = vector.broadcast %div3A_19 : f32 to vector<2000x1xf32>
    %div3A_21 = arith.divf %div3A_20, %max3A_18 : vector<2000x1xf32>
    %get3A_22 = arith.constant 0 : index
    %get3A_23 = arith.constant 0 : index
    %get3A_24 = vector.load %arg8[%get3A_22, %get3A_23] : memref<256x256xf32, #tpu.memory_space<vmem>>, vector<256x256xf32>
    %get3A_25 = arith.constant 0 : index
    %get3A_26 = arith.constant 0 : index
    %get3A_27 = vector.load %arg9[%get3A_25, %get3A_26] : memref<256x256xf32, #tpu.memory_space<vmem>>, vector<256x256xf32>
    %add3A = arith.addf %get3A_24, %get3A_27 : vector<256x256xf32>
    %get3A_28 = arith.constant 0 : index
    %get3A_29 = arith.constant 0 : index
    %get3A_30 = vector.load %arg1[%get3A_28, %get3A_29] : memref<2000x256xf32, #tpu.memory_space<vmem>>, vector<2000x256xf32>
    %dot_general3A = arith.constant dense<0.000000e+00> : vector<2000x256xf32>
    %dot_general3A_31 = tpu.matmul %get3A_30, %add3A, %dot_general3A {dimension_numbers = #tpu.dot_dimension_numbers<[1], [0], [0], [1], [0, 0, 1, 1], [], []>, transpose_lhs_hint = false} : vector<2000x256xf32>, vector<256x256xf32>, vector<2000x256xf32> -> vector<2000x256xf32>
    %get3A_32 = arith.constant 0 : index
    %get3A_33 = arith.constant 0 : index
    %get3A_34 = arith.constant 0 : index
    %get3A_35 = arith.constant 0 : index
    %get3A_36 = vector.load %arg2[%get3A_32, %get3A_33, %get3A_34, %get3A_35] : memref<1x1x2000x128xf32, #tpu.memory_space<vmem>>, vector<1x1x2000x128xf32>
    %get3A_37 = vector.shape_cast %get3A_36 : vector<1x1x2000x128xf32> to vector<2000x128xf32>
    %mul3A = vector.broadcast %div3A_8 : vector<2000x1xf32> to vector<2000x128xf32>
    %mul3A_38 = arith.mulf %get3A_37, %mul3A : vector<2000x128xf32>
    %get3A_39 = arith.constant 0 : index
    %get3A_40 = arith.constant 0 : index
    %get3A_41 = vector.load %arg10[%get3A_39, %get3A_40] : memref<256x256xf32, #tpu.memory_space<vmem>>, vector<128x256xf32>
    %dot_general3A_42 = arith.constant dense<0.000000e+00> : vector<2000x256xf32>
    %dot_general3A_43 = tpu.matmul %mul3A_38, %get3A_41, %dot_general3A_42 {dimension_numbers = #tpu.dot_dimension_numbers<[1], [0], [0], [1], [0, 0, 1, 1], [], []>, transpose_lhs_hint = false} : vector<2000x128xf32>, vector<128x256xf32>, vector<2000x256xf32> -> vector<2000x256xf32>
    %add3A_44 = arith.addf %dot_general3A_31, %dot_general3A_43 : vector<2000x256xf32>
    %get3A_45 = arith.constant 0 : index
    %get3A_46 = arith.constant 0 : index
    %get3A_47 = arith.constant 0 : index
    %get3A_48 = arith.constant 0 : index
    %get3A_49 = vector.load %arg3[%get3A_45, %get3A_46, %get3A_47, %get3A_48] : memref<1x1x2000x128xf32, #tpu.memory_space<vmem>>, vector<1x1x2000x128xf32>
    %get3A_50 = vector.shape_cast %get3A_49 : vector<1x1x2000x128xf32> to vector<2000x128xf32>
    %mul3A_51 = vector.broadcast %div3A_8 : vector<2000x1xf32> to vector<2000x128xf32>
    %mul3A_52 = arith.mulf %get3A_50, %mul3A_51 : vector<2000x128xf32>
    %get3A_53 = arith.constant 128 : index
    %get3A_54 = arith.constant 0 : index
    %get3A_55 = vector.load %arg10[%get3A_53, %get3A_54] : memref<256x256xf32, #tpu.memory_space<vmem>>, vector<128x256xf32>
    %dot_general3A_56 = arith.constant dense<0.000000e+00> : vector<2000x256xf32>
    %dot_general3A_57 = tpu.matmul %mul3A_52, %get3A_55, %dot_general3A_56 {dimension_numbers = #tpu.dot_dimension_numbers<[1], [0], [0], [1], [0, 0, 1, 1], [], []>, transpose_lhs_hint = false} : vector<2000x128xf32>, vector<128x256xf32>, vector<2000x256xf32> -> vector<2000x256xf32>
    %add3A_58 = arith.addf %add3A_44, %dot_general3A_57 : vector<2000x256xf32>
    %get3A_59 = arith.constant 0 : index
    %get3A_60 = arith.constant 0 : index
    %get3A_61 = arith.constant 0 : index
    %get3A_62 = arith.constant 0 : index
    %get3A_63 = vector.load %arg4[%get3A_59, %get3A_60, %get3A_61, %get3A_62] : memref<1x1x2000x128xf32, #tpu.memory_space<vmem>>, vector<1x1x2000x128xf32>
    %get3A_64 = vector.shape_cast %get3A_63 : vector<1x1x2000x128xf32> to vector<2000x128xf32>
    %mul3A_65 = vector.broadcast %div3A_21 : vector<2000x1xf32> to vector<2000x128xf32>
    %mul3A_66 = arith.mulf %get3A_64, %mul3A_65 : vector<2000x128xf32>
    %get3A_67 = arith.constant 0 : index
    %get3A_68 = arith.constant 0 : index
    %get3A_69 = vector.load %arg11[%get3A_67, %get3A_68] : memref<256x256xf32, #tpu.memory_space<vmem>>, vector<128x256xf32>
    %dot_general3A_70 = arith.constant dense<0.000000e+00> : vector<2000x256xf32>
    %dot_general3A_71 = tpu.matmul %mul3A_66, %get3A_69, %dot_general3A_70 {dimension_numbers = #tpu.dot_dimension_numbers<[1], [0], [0], [1], [0, 0, 1, 1], [], []>, transpose_lhs_hint = false} : vector<2000x128xf32>, vector<128x256xf32>, vector<2000x256xf32> -> vector<2000x256xf32>
    %add3A_72 = arith.addf %add3A_58, %dot_general3A_71 : vector<2000x256xf32>
    %get3A_73 = arith.constant 0 : index
    %get3A_74 = arith.constant 0 : index
    %get3A_75 = arith.constant 0 : index
    %get3A_76 = arith.constant 0 : index
    %get3A_77 = vector.load %arg5[%get3A_73, %get3A_74, %get3A_75, %get3A_76] : memref<1x1x2000x128xf32, #tpu.memory_space<vmem>>, vector<1x1x2000x128xf32>
    %get3A_78 = vector.shape_cast %get3A_77 : vector<1x1x2000x128xf32> to vector<2000x128xf32>
    %mul3A_79 = vector.broadcast %div3A_21 : vector<2000x1xf32> to vector<2000x128xf32>
    %mul3A_80 = arith.mulf %get3A_78, %mul3A_79 : vector<2000x128xf32>
    %get3A_81 = arith.constant 128 : index
    %get3A_82 = arith.constant 0 : index
    %get3A_83 = vector.load %arg11[%get3A_81, %get3A_82] : memref<256x256xf32, #tpu.memory_space<vmem>>, vector<128x256xf32>
    %dot_general3A_84 = arith.constant dense<0.000000e+00> : vector<2000x256xf32>
    %dot_general3A_85 = tpu.matmul %mul3A_80, %get3A_83, %dot_general3A_84 {dimension_numbers = #tpu.dot_dimension_numbers<[1], [0], [0], [1], [0, 0, 1, 1], [], []>, transpose_lhs_hint = false} : vector<2000x128xf32>, vector<128x256xf32>, vector<2000x256xf32> -> vector<2000x256xf32>
    %add3A_86 = arith.addf %add3A_72, %dot_general3A_85 : vector<2000x256xf32>
    %get3A_87 = arith.constant 0 : index
    %get3A_88 = arith.constant 0 : index
    %get3A_89 = vector.load %arg12[%get3A_87, %get3A_88] : memref<1x256xf32, #tpu.memory_space<vmem>>, vector<1x256xf32>
    %get3A_90 = arith.constant 0 : index
    %get3A_91 = arith.constant 0 : index
    %get3A_92 = vector.load %arg13[%get3A_90, %get3A_91] : memref<1x256xf32, #tpu.memory_space<vmem>>, vector<1x256xf32>
    %add3A_93 = arith.addf %get3A_89, %get3A_92 : vector<1x256xf32>
    %add3A_94 = vector.broadcast %add3A_93 : vector<1x256xf32> to vector<2000x256xf32>
    %add3A_95 = arith.addf %add3A_86, %add3A_94 : vector<2000x256xf32>
    %swap3A = arith.constant 0 : index
    %swap3A_96 = arith.constant 0 : index
    %swap3A_97 = vector.load %arg14[%swap3A, %swap3A_96] : memref<2000x256xf32, #tpu.memory_space<vmem>>, vector<2000x256xf32>
    tpu.vector_store %arg14[%swap3A, %swap3A_96], %add3A_95 {strides = array<i32>} : memref<2000x256xf32, #tpu.memory_space<vmem>>, vector<2000x256xf32>,
    return
  }
  func.func @transform_0(%arg0: i32) -> (i32, i32) {
    %c0_i32 = arith.constant 0 : i32
    %c0_i32_0 = arith.constant 0 : i32
    return %arg0, %c0_i32 : i32, i32
  }
  func.func @transform_1(%arg0: i32) -> (i32, i32, i32, i32) {
    %c0_i32 = arith.constant 0 : i32
    %c2_i32 = arith.constant 2 : i32
    %c0_i32_0 = arith.constant 0 : i32
    %c0_i32_1 = arith.constant 0 : i32
    return %c0_i32, %c2_i32, %arg0, %c0_i32_0 : i32, i32, i32, i32
  }
  func.func @transform_2(%arg0: i32) -> (i32, i32, i32, i32) {
    %c1_i32 = arith.constant 1 : i32
    %c2_i32 = arith.constant 2 : i32
    %c0_i32 = arith.constant 0 : i32
    %c0_i32_0 = arith.constant 0 : i32
    return %c1_i32, %c2_i32, %arg0, %c0_i32 : i32, i32, i32, i32
  }
  func.func @transform_3(%arg0: i32) -> (i32, i32, i32, i32) {
    %c0_i32 = arith.constant 0 : i32
    %c3_i32 = arith.constant 3 : i32
    %c0_i32_0 = arith.constant 0 : i32
    %c0_i32_1 = arith.constant 0 : i32
    return %c0_i32, %c3_i32, %arg0, %c0_i32_0 : i32, i32, i32, i32
  }
  func.func @transform_4(%arg0: i32) -> (i32, i32, i32, i32) {
    %c1_i32 = arith.constant 1 : i32
    %c3_i32 = arith.constant 3 : i32
    %c0_i32 = arith.constant 0 : i32
    %c0_i32_0 = arith.constant 0 : i32
    return %c1_i32, %c3_i32, %arg0, %c0_i32 : i32, i32, i32, i32
  }
  func.func @transform_5(%arg0: i32) -> (i32, i32, i32, i32) {
    %c1_i32 = arith.constant 1 : i32
    %c4_i32 = arith.constant 4 : i32
    %c0_i32 = arith.constant 0 : i32
    %c0_i32_0 = arith.constant 0 : i32
    return %c1_i32, %c4_i32, %arg0, %c0_i32 : i32, i32, i32, i32
  }
  func.func @transform_6(%arg0: i32) -> (i32, i32, i32, i32) {
    %c1_i32 = arith.constant 1 : i32
    %c5_i32 = arith.constant 5 : i32
    %c0_i32 = arith.constant 0 : i32
    %c0_i32_0 = arith.constant 0 : i32
    return %c1_i32, %c5_i32, %arg0, %c0_i32 : i32, i32, i32, i32
  }
  func.func @transform_7(%arg0: i32) -> (i32, i32) {
    %c0_i32 = arith.constant 0 : i32
    %c0_i32_0 = arith.constant 0 : i32
    %c0_i32_1 = arith.constant 0 : i32
    return %c0_i32, %c0_i32_0 : i32, i32
  }
  func.func @transform_8(%arg0: i32) -> (i32, i32) {
    %c0_i32 = arith.constant 0 : i32
    %c0_i32_0 = arith.constant 0 : i32
    %c0_i32_1 = arith.constant 0 : i32
    return %c0_i32, %c0_i32_0 : i32, i32
  }
  func.func @transform_9(%arg0: i32) -> (i32, i32) {
    %c0_i32 = arith.constant 0 : i32
    %c0_i32_0 = arith.constant 0 : i32
    %c0_i32_1 = arith.constant 0 : i32
    return %c0_i32, %c0_i32_0 : i32, i32
  }
  func.func @transform_10(%arg0: i32) -> (i32, i32) {
    %c0_i32 = arith.constant 0 : i32
    %c0_i32_0 = arith.constant 0 : i32
    %c0_i32_1 = arith.constant 0 : i32
    return %c0_i32, %c0_i32_0 : i32, i32
  }
  func.func @transform_11(%arg0: i32) -> (i32, i32) {
    %c0_i32 = arith.constant 0 : i32
    %c0_i32_0 = arith.constant 0 : i32
    %c0_i32_1 = arith.constant 0 : i32
    return %c0_i32, %c0_i32_0 : i32, i32
  }
  func.func @transform_12(%arg0: i32) -> (i32, i32) {
    %c0_i32 = arith.constant 0 : i32
    %c0_i32_0 = arith.constant 0 : i32
    %c0_i32_1 = arith.constant 0 : i32
    return %c0_i32, %c0_i32_0 : i32, i32
  }
  func.func @transform_13(%arg0: i32) -> (i32, i32) {
    %c0_i32 = arith.constant 0 : i32
    %c0_i32_0 = arith.constant 0 : i32
    return %arg0, %c0_i32 : i32, i32
  }
}

module attributes {stable_mosaic.version = 14 : i64} {
  func.func @_tc_body(%arg0: i32, %arg1: memref<2000x256xf32, #tpu.memory_space<vmem>>, %arg2: memref<1x1x2000x128xf32, #tpu.memory_space<vmem>>, %arg3: memref<1x1x2000x128xf32, #tpu.memory_space<vmem>>, %arg4: memref<1x1x2000x128xf32, #tpu.memory_space<vmem>>, %arg5: memref<1x1x2000x128xf32, #tpu.memory_space<vmem>>, %arg6: memref<1x1x2000x128xf32, #tpu.memory_space<vmem>>, %arg7: memref<1x1x2000x128xf32, #tpu.memory_space<vmem>>, %arg8: memref<256x256xf32, #tpu.memory_space<vmem>>, %arg9: memref<256x256xf32, #tpu.memory_space<vmem>>, %arg10: memref<256x256xf32, #tpu.memory_space<vmem>>, %arg11: memref<256x256xf32, #tpu.memory_space<vmem>>, %arg12: memref<1x256xf32, #tpu.memory_space<vmem>>, %arg13: memref<1x256xf32, #tpu.memory_space<vmem>>, %arg14: memref<2000x256xf32, #tpu.memory_space<vmem>>) attributes {dimension_semantics = [#tpu.dimension_semantics<arbitrary>], iteration_bounds = array<i64: 5>, scalar_prefetch = 0 : i64, scratch_operands = 0 : i64, tpu.core_type = #tpu.core_type<tc>, window_params = [{transform_indices = @transform_0, window_bounds = array<i64: 2000, 256>}, {transform_indices = @transform_1, window_bounds = array<i64: 1, 1, 2000, 128>}, {transform_indices = @transform_2, window_bounds = array<i64: 1, 1, 2000, 128>}, {transform_indices = @transform_3, window_bounds = array<i64: 1, 1, 2000, 128>}, {transform_indices = @transform_4, window_bounds = array<i64: 1, 1, 2000, 128>}, {transform_indices = @transform_5, window_bounds = array<i64: 1, 1, 2000, 128>}, {transform_indices = @transform_6, window_bounds = array<i64: 1, 1, 2000, 128>}, {pipeline_mode = #tpu.pipeline_mode<synchronous>, transform_indices = @transform_7, window_bounds = array<i64: 256, 256>}, {pipeline_mode = #tpu.pipeline_mode<synchronous>, transform_indices = @transform_8, window_bounds = array<i64: 256, 256>}, {pipeline_mode = #tpu.pipeline_mode<synchronous>, transform_indices = @transform_9, window_bounds = array<i64: 256, 256>}, {pipeline_mode = #tpu.pipeline_mode<synchronous>, transform_indices = @transform_10, window_bounds = array<i64: 256, 256>}, {pipeline_mode = #tpu.pipeline_mode<synchronous>, transform_indices = @transform_11, window_bounds = array<i64: 1, 256>}, {pipeline_mode = #tpu.pipeline_mode<synchronous>, transform_indices = @transform_12, window_bounds = array<i64: 1, 256>}, {transform_indices = @transform_13, window_bounds = array<i64: 2000, 256>}]} {
    %get3A = arith.constant 0 : index
    %get3A_0 = arith.constant 0 : index
    %get3A_1 = arith.constant 0 : index
    %get3A_2 = arith.constant 0 : index
    %get3A_3 = vector.load %arg6[%get3A, %get3A_0, %get3A_1, %get3A_2] : memref<1x1x2000x128xf32, #tpu.memory_space<vmem>>, vector<1x1x2000x128xf32>
    %get3A_4 = vector.shape_cast %get3A_3 : vector<1x1x2000x128xf32> to vector<2000x128xf32>
    %slice3A = vector.extract_strided_slice %get3A_4 {offsets = [0, 0], sizes = [2000, 1], strides = [1, 1]} : vector<2000x128xf32> to vector<2000x1xf32>
    %max3A = arith.constant 1.000000e+00 : f32
    %max3A_5 = vector.broadcast %max3A : f32 to vector<2000x1xf32>
    %max3A_6 = arith.maximumf %slice3A, %max3A_5 : vector<2000x1xf32>
    %div3A = arith.constant 1.000000e+00 : f32
    %div3A_7 = vector.broadcast %div3A : f32 to vector<2000x1xf32>
    %div3A_8 = arith.divf %div3A_7, %max3A_6 : vector<2000x1xf32>
    %get3A_9 = arith.constant 0 : index
    %get3A_10 = arith.constant 0 : index
    %get3A_11 = arith.constant 0 : index
    %get3A_12 = arith.constant 0 : index
    %get3A_13 = vector.load %arg7[%get3A_9, %get3A_10, %get3A_11, %get3A_12] : memref<1x1x2000x128xf32, #tpu.memory_space<vmem>>, vector<1x1x2000x128xf32>
    %get3A_14 = vector.shape_cast %get3A_13 : vector<1x1x2000x128xf32> to vector<2000x128xf32>
    %slice3A_15 = vector.extract_strided_slice %get3A_14 {offsets = [0, 0], sizes = [2000, 1], strides = [1, 1]} : vector<2000x128xf32> to vector<2000x1xf32>
    %max3A_16 = arith.constant 1.000000e+00 : f32
    %max3A_17 = vector.broadcast %max3A_16 : f32 to vector<2000x1xf32>
    %max3A_18 = arith.maximumf %slice3A_15, %max3A_17 : vector<2000x1xf32>
    %div3A_19 = arith.constant 1.000000e+00 : f32
    %div3A_20 = vector.broadcast %div3A_19 : f32 to vector<2000x1xf32>
    %div3A_21 = arith.divf %div3A_20, %max3A_18 : vector<2000x1xf32>
    %get3A_22 = arith.constant 0 : index
    %get3A_23 = arith.constant 0 : index
    %get3A_24 = vector.load %arg8[%get3A_22, %get3A_23] : memref<256x256xf32, #tpu.memory_space<vmem>>, vector<256x256xf32>
    %get3A_25 = arith.constant 0 : index
    %get3A_26 = arith.constant 0 : index
    %get3A_27 = vector.load %arg9[%get3A_25, %get3A_26] : memref<256x256xf32, #tpu.memory_space<vmem>>, vector<256x256xf32>
    %add3A = arith.addf %get3A_24, %get3A_27 : vector<256x256xf32>
    %get3A_28 = arith.constant 0 : index
    %get3A_29 = arith.constant 0 : index
    %get3A_30 = vector.load %arg1[%get3A_28, %get3A_29] : memref<2000x256xf32, #tpu.memory_space<vmem>>, vector<2000x256xf32>
    %dot_general3A = arith.constant dense<0.000000e+00> : vector<2000x256xf32>
    %dot_general3A_31 = tpu.matmul %get3A_30, %add3A, %dot_general3A {dimension_numbers = #tpu.dot_dimension_numbers<[1], [0], [0], [1], [0, 0, 1, 1], [], []>, transpose_lhs_hint = false} : vector<2000x256xf32>, vector<256x256xf32>, vector<2000x256xf32> -> vector<2000x256xf32>
    %get3A_32 = arith.constant 0 : index
    %get3A_33 = arith.constant 0 : index
    %get3A_34 = arith.constant 0 : index
    %get3A_35 = arith.constant 0 : index
    %get3A_36 = vector.load %arg2[%get3A_32, %get3A_33, %get3A_34, %get3A_35] : memref<1x1x2000x128xf32, #tpu.memory_space<vmem>>, vector<1x1x2000x128xf32>
    %get3A_37 = vector.shape_cast %get3A_36 : vector<1x1x2000x128xf32> to vector<2000x128xf32>
    %mul3A = vector.broadcast %div3A_8 : vector<2000x1xf32> to vector<2000x128xf32>
    %mul3A_38 = arith.mulf %get3A_37, %mul3A : vector<2000x128xf32>
    %get3A_39 = arith.constant 0 : index
    %get3A_40 = arith.constant 0 : index
    %get3A_41 = vector.load %arg10[%get3A_39, %get3A_40] : memref<256x256xf32, #tpu.memory_space<vmem>>, vector<128x256xf32>
    %dot_general3A_42 = arith.constant dense<0.000000e+00> : vector<2000x256xf32>
    %dot_general3A_43 = tpu.matmul %mul3A_38, %get3A_41, %dot_general3A_42 {dimension_numbers = #tpu.dot_dimension_numbers<[1], [0], [0], [1], [0, 0, 1, 1], [], []>, transpose_lhs_hint = false} : vector<2000x128xf32>, vector<128x256xf32>, vector<2000x256xf32> -> vector<2000x256xf32>
    %add3A_44 = arith.addf %dot_general3A_31, %dot_general3A_43 : vector<2000x256xf32>
    %get3A_45 = arith.constant 0 : index
    %get3A_46 = arith.constant 0 : index
    %get3A_47 = arith.constant 0 : index
    %get3A_48 = arith.constant 0 : index
    %get3A_49 = vector.load %arg3[%get3A_45, %get3A_46, %get3A_47, %get3A_48] : memref<1x1x2000x128xf32, #tpu.memory_space<vmem>>, vector<1x1x2000x128xf32>
    %get3A_50 = vector.shape_cast %get3A_49 : vector<1x1x2000x128xf32> to vector<2000x128xf32>
    %mul3A_51 = vector.broadcast %div3A_8 : vector<2000x1xf32> to vector<2000x128xf32>
    %mul3A_52 = arith.mulf %get3A_50, %mul3A_51 : vector<2000x128xf32>
    %get3A_53 = arith.constant 128 : index
    %get3A_54 = arith.constant 0 : index
    %get3A_55 = vector.load %arg10[%get3A_53, %get3A_54] : memref<256x256xf32, #tpu.memory_space<vmem>>, vector<128x256xf32>
    %dot_general3A_56 = arith.constant dense<0.000000e+00> : vector<2000x256xf32>
    %dot_general3A_57 = tpu.matmul %mul3A_52, %get3A_55, %dot_general3A_56 {dimension_numbers = #tpu.dot_dimension_numbers<[1], [0], [0], [1], [0, 0, 1, 1], [], []>, transpose_lhs_hint = false} : vector<2000x128xf32>, vector<128x256xf32>, vector<2000x256xf32> -> vector<2000x256xf32>
    %add3A_58 = arith.addf %add3A_44, %dot_general3A_57 : vector<2000x256xf32>
    %get3A_59 = arith.constant 0 : index
    %get3A_60 = arith.constant 0 : index
    %get3A_61 = arith.constant 0 : index
    %get3A_62 = arith.constant 0 : index
    %get3A_63 = vector.load %arg4[%get3A_59, %get3A_60, %get3A_61, %get3A_62] : memref<1x1x2000x128xf32, #tpu.memory_space<vmem>>, vector<1x1x2000x128xf32>
    %get3A_64 = vector.shape_cast %get3A_63 : vector<1x1x2000x128xf32> to vector<2000x128xf32>
    %mul3A_65 = vector.broadcast %div3A_21 : vector<2000x1xf32> to vector<2000x128xf32>
    %mul3A_66 = arith.mulf %get3A_64, %mul3A_65 : vector<2000x128xf32>
    %get3A_67 = arith.constant 0 : index
    %get3A_68 = arith.constant 0 : index
    %get3A_69 = vector.load %arg11[%get3A_67, %get3A_68] : memref<256x256xf32, #tpu.memory_space<vmem>>, vector<128x256xf32>
    %dot_general3A_70 = arith.constant dense<0.000000e+00> : vector<2000x256xf32>
    %dot_general3A_71 = tpu.matmul %mul3A_66, %get3A_69, %dot_general3A_70 {dimension_numbers = #tpu.dot_dimension_numbers<[1], [0], [0], [1], [0, 0, 1, 1], [], []>, transpose_lhs_hint = false} : vector<2000x128xf32>, vector<128x256xf32>, vector<2000x256xf32> -> vector<2000x256xf32>
    %add3A_72 = arith.addf %add3A_58, %dot_general3A_71 : vector<2000x256xf32>
    %get3A_73 = arith.constant 0 : index
    %get3A_74 = arith.constant 0 : index
    %get3A_75 = arith.constant 0 : index
    %get3A_76 = arith.constant 0 : index
    %get3A_77 = vector.load %arg5[%get3A_73, %get3A_74, %get3A_75, %get3A_76] : memref<1x1x2000x128xf32, #tpu.memory_space<vmem>>, vector<1x1x2000x128xf32>
    %get3A_78 = vector.shape_cast %get3A_77 : vector<1x1x2000x128xf32> to vector<2000x128xf32>
    %mul3A_79 = vector.broadcast %div3A_21 : vector<2000x1xf32> to vector<2000x128xf32>
    %mul3A_80 = arith.mulf %get3A_78, %mul3A_79 : vector<2000x128xf32>
    %get3A_81 = arith.constant 128 : index
    %get3A_82 = arith.constant 0 : index
    %get3A_83 = vector.load %arg11[%get3A_81, %get3A_82] : memref<256x256xf32, #tpu.memory_space<vmem>>, vector<128x256xf32>
    %dot_general3A_84 = arith.constant dense<0.000000e+00> : vector<2000x256xf32>
    %dot_general3A_85 = tpu.matmul %mul3A_80, %get3A_83, %dot_general3A_84 {dimension_numbers = #tpu.dot_dimension_numbers<[1], [0], [0], [1], [0, 0, 1, 1], [], []>, transpose_lhs_hint = false} : vector<2000x128xf32>, vector<128x256xf32>, vector<2000x256xf32> -> vector<2000x256xf32>
    %add3A_86 = arith.addf %add3A_72, %dot_general3A_85 : vector<2000x256xf32>
    %get3A_87 = arith.constant 0 : index
    %get3A_88 = arith.constant 0 : index
    %get3A_89 = vector.load %arg12[%get3A_87, %get3A_88] : memref<1x256xf32, #tpu.memory_space<vmem>>, vector<1x256xf32>
    %get3A_90 = arith.constant 0 : index
    %get3A_91 = arith.constant 0 : index
    %get3A_92 = vector.load %arg13[%get3A_90, %get3A_91] : memref<1x256xf32, #tpu.memory_space<vmem>>, vector<1x256xf32>
    %add3A_93 = arith.addf %get3A_89, %get3A_92 : vector<1x256xf32>
    %add3A_94 = vector.broadcast %add3A_93 : vector<1x256xf32> to vector<2000x256xf32>
    %add3A_95 = arith.addf %add3A_86, %add3A_94 : vector<2000x256xf32>
    %swap3A = arith.constant 0 : index
    %swap3A_96 = arith.constant 0 : index
    %swap3A_97 = vector.load %arg14[%swap3A, %swap3A_96] : memref<2000x256xf32, #tpu.memory_space<vmem>>, vector<2000x256xf32>
    tpu.vector_store %arg14[%swap3A, %swap3A_96], %add3A_95 {strides = array<i32>} : memref<2000x256xf32, #tpu.memory_space<vmem>>, vector<2000x256xf32>,
    return
  }
  func.func @transform_0(%arg0: i32) -> (i32, i32) {
    %c0_i32 = arith.constant 0 : i32
    %c0_i32_0 = arith.constant 0 : i32
    return %arg0, %c0_i32 : i32, i32
  }
  func.func @transform_1(%arg0: i32) -> (i32, i32, i32, i32) {
    %c0_i32 = arith.constant 0 : i32
    %c0_i32_0 = arith.constant 0 : i32
    %c0_i32_1 = arith.constant 0 : i32
    %c0_i32_2 = arith.constant 0 : i32
    return %c0_i32, %c0_i32_0, %arg0, %c0_i32_1 : i32, i32, i32, i32
  }
  func.func @transform_2(%arg0: i32) -> (i32, i32, i32, i32) {
    %c1_i32 = arith.constant 1 : i32
    %c0_i32 = arith.constant 0 : i32
    %c0_i32_0 = arith.constant 0 : i32
    %c0_i32_1 = arith.constant 0 : i32
    return %c1_i32, %c0_i32, %arg0, %c0_i32_0 : i32, i32, i32, i32
  }
  func.func @transform_3(%arg0: i32) -> (i32, i32, i32, i32) {
    %c0_i32 = arith.constant 0 : i32
    %c1_i32 = arith.constant 1 : i32
    %c0_i32_0 = arith.constant 0 : i32
    %c0_i32_1 = arith.constant 0 : i32
    return %c0_i32, %c1_i32, %arg0, %c0_i32_0 : i32, i32, i32, i32
  }
  func.func @transform_4(%arg0: i32) -> (i32, i32, i32, i32) {
    %c1_i32 = arith.constant 1 : i32
    %c1_i32_0 = arith.constant 1 : i32
    %c0_i32 = arith.constant 0 : i32
    %c0_i32_1 = arith.constant 0 : i32
    return %c1_i32, %c1_i32_0, %arg0, %c0_i32 : i32, i32, i32, i32
  }
  func.func @transform_5(%arg0: i32) -> (i32, i32, i32, i32) {
    %c0_i32 = arith.constant 0 : i32
    %c4_i32 = arith.constant 4 : i32
    %c0_i32_0 = arith.constant 0 : i32
    %c0_i32_1 = arith.constant 0 : i32
    return %c0_i32, %c4_i32, %arg0, %c0_i32_0 : i32, i32, i32, i32
  }
  func.func @transform_6(%arg0: i32) -> (i32, i32, i32, i32) {
    %c0_i32 = arith.constant 0 : i32
    %c5_i32 = arith.constant 5 : i32
    %c0_i32_0 = arith.constant 0 : i32
    %c0_i32_1 = arith.constant 0 : i32
    return %c0_i32, %c5_i32, %arg0, %c0_i32_0 : i32, i32, i32, i32
  }
  func.func @transform_7(%arg0: i32) -> (i32, i32) {
    %c0_i32 = arith.constant 0 : i32
    %c0_i32_0 = arith.constant 0 : i32
    %c0_i32_1 = arith.constant 0 : i32
    return %c0_i32, %c0_i32_0 : i32, i32
  }
  func.func @transform_8(%arg0: i32) -> (i32, i32) {
    %c0_i32 = arith.constant 0 : i32
    %c0_i32_0 = arith.constant 0 : i32
    %c0_i32_1 = arith.constant 0 : i32
    return %c0_i32, %c0_i32_0 : i32, i32
  }
  func.func @transform_9(%arg0: i32) -> (i32, i32) {
    %c0_i32 = arith.constant 0 : i32
    %c0_i32_0 = arith.constant 0 : i32
    %c0_i32_1 = arith.constant 0 : i32
    return %c0_i32, %c0_i32_0 : i32, i32
  }
  func.func @transform_10(%arg0: i32) -> (i32, i32) {
    %c0_i32 = arith.constant 0 : i32
    %c0_i32_0 = arith.constant 0 : i32
    %c0_i32_1 = arith.constant 0 : i32
    return %c0_i32, %c0_i32_0 : i32, i32
  }
  func.func @transform_11(%arg0: i32) -> (i32, i32) {
    %c0_i32 = arith.constant 0 : i32
    %c0_i32_0 = arith.constant 0 : i32
    %c0_i32_1 = arith.constant 0 : i32
    return %c0_i32, %c0_i32_0 : i32, i32
  }
  func.func @transform_12(%arg0: i32) -> (i32, i32) {
    %c0_i32 = arith.constant 0 : i32
    %c0_i32_0 = arith.constant 0 : i32
    %c0_i32_1 = arith.constant 0 : i32
    return %c0_i32, %c0_i32_0 : i32, i32
  }
  func.func @transform_13(%arg0: i32) -> (i32, i32) {
    %c0_i32 = arith.constant 0 : i32
    %c0_i32_0 = arith.constant 0 : i32
    return %arg0, %c0_i32 : i32, i32
  }
}

</mosaic_0001>

<sc_bundles>
// kernel: kernel.5.cloned.1.call-start
scs
__scs_entry_jumppad:
0x0: {  	(pc) =	sbr.rel $0x88, $3  }
0x1: {  	(tag) =	ssettag $0x0;
	lr =	simm.s32 $0x1  }
0x2: {  	[smem:$0x3F92] =	sst lr;
	_ =	strace $0xD0000000  }
0x3: {  	_ = 	snop  }
0x4: {  	_ = 	snop  }
0x5: {  	_ = 	snop  }
0x6: {  	_ = 	snop  }
0x7: {  	_ = 	snop  }
__scs_overlays_trampoline_lowered:
0x8: {  	[smem:$0x3FA1] =	sst s0  }
0x9: {  	[smem:$0x3FA2] =	sst s1  }
0xa: {  	[smem:$0x3FA3] =	sst s2  }
0xb: {  	[smem:$0x3FA4] =	sst s3  }
0xc: {  	[smem:$0x3FA5] =	sst s4  }
0xd: {  	[smem:$0x3FA6] =	sst s5  }
0xe: {  	[smem:$0x3FA7] =	sst s6  }
0xf: {  	[smem:$0x3FA8] =	sst s7  }
0x10: {  	[smem:$0x3FA9] =	sst s8  }
0x11: {  	[smem:$0x3FAA] =	sst s9;
	s0 =	simm.s32 @!p0 $0x0  }
0x12: {  	s1 =	sld [smem:$0x3F90];
	s0 =	simm.s32 @p0 $0x1  }
0x13: {  	[smem:$0x3FAB] =	sst s0;
	s0 =	simm.s32 @!p1 $0x0  }
0x14: {  	s2 =	sld [smem:$0x3F8F];
	s0 =	simm.s32 @p1 $0x1  }
0x15: {  	[smem:$0x3FAC] =	sst s0;
	s0 =	simm.s32 @!p2 $0x0  }
0x16: {  	s3 =	sld [smem:$0x3FDB];
	s0 =	simm.s32 @p2 $0x1  }
0x17: {  	s4 =	simm.s32 $0x1BF5;
	[smem:$0x3FAE] =	sst s0  }
0x18: {  	s0 =	sld [smem:$0x3F91];
	_ =	swait.ge [sflag:s4], $0x0  }
0x19: {  	s7 =	sld [smem:$0x3F92]  }
0x1a: {  	s8 =	sadd.s32 $0xFFFFE003, lr  }
0x1b: {  	s9 =	sadd.s32 $0xFFFFFEF7, lr;
	s5 =	simm.s32 $0xFFFFFFFF;
	p2 =	slt.u32 s8, $0xFFFFF086  }
0x1c: {  	p1 =	slt.u32 s9, $0xF7A;
	s5 =	simm.s32 @!p2 $0x0  }
0x1d: {  	s5 =	simm.s32 @p1 $0x1;
	p0 =	seq.s32 s7, s2  }
0x1e: {  	s7 =	smul.u32 @!p0 $0xF7A, s2;
	p2 =	seq.s32 @!p0 s5, $0x0  }
0x1f: {  	s9 =	smul.u32 $0xF7A, s1;
	s8 =	simm.s32 @!p0 $0x1BF5;
	p2 =	por !p2, p0  }
0x20: {  	[sflag:s8] =	ssyncset.s32 @!p0 $0xFFFFF086;
	s6 =	sadd.s32 @!p0 s3, s7;
	s7 =	simm.s32 @!p0 $0x108  }
0x21: {  	s3 =	sadd.s32 s3, s9;
	s6 =	sadd.s32 @!p0 $0x88, s6;
	s7 =	simm.s32 @p2 $0x1082  }
0x22: {  	[simem:s7], [sflag:s8] =	dma.local @!p0 [hbm:s6], $0xF7A  }
0x23: {  	s9 =	sor.u32 $0xD0000000, s2;
	s6 =	simm.s32 $0x108;
	_ =	swait.ge @!p0 [sflag:s8], $0x0  }
0x24: {  	s3 =	sadd.s32 $0x88, s3;
	s6 =	simm.s32 @!p1 $0x1082;
	[sflag:s4] =	ssyncset.s32 $0xFFFFF086  }
0x25: {  	[simem:s6], [sflag:s4] =	dma.local [hbm:s3], $0xF7A  }
0x26: {  	[smem:$0x3F92] =	sst s1;
	(tag) =	ssettag s2;
	_ =	strace s9  }
0x27: {  	s1 =	sld [smem:$0x3FA2]  }
0x28: {  	s2 =	sld [smem:$0x3FA3]  }
0x29: {  	s4 =	sld [smem:$0x3FA5]  }
0x2a: {  	p0 =	seq.s32 s5, $0x0;
	s5 =	sld [smem:$0x3FA6]  }
0x2b: {  	s6 =	sld [smem:$0x3FA7]  }
0x2c: {  	s7 =	sld [smem:$0x3FA8]  }
0x2d: {  	s3 =	simm.s32 $0x108;
	s8 =	sld [smem:$0x3FA9]  }
0x2e: {  	s3 =	simm.s32 @!p0 $0x1082;
	s9 =	sld [smem:$0x3FAA]  }
0x2f: {  	lr =	sadd.s32 s0, s3;
	s0 =	sld [smem:$0x3FA1]  }
0x30: {  	s3 =	sld [smem:$0x3FA4]  }
0x31: {  	[smem:$0x3FAD] =	sst s10  }
0x32: {  	s10 =	sld [smem:$0x3FAB];
	_ =	sdelay $0x3  }
0x33: {  	p0 =	seq.s32 s10, $0x1;
	s10 =	sld [smem:$0x3FAD];
	_ =	sdelay $0x3  }
0x34: {  	[smem:$0x3FAD] =	sst s10  }
0x35: {  	s10 =	sld [smem:$0x3FAC];
	_ =	sdelay $0x3  }
0x36: {  	p1 =	seq.s32 s10, $0x1;
	s10 =	sld [smem:$0x3FAD];
	_ =	sdelay $0x3  }
0x37: {  	[smem:$0x3FAD] =	sst s10  }
0x38: {  	s10 =	sld [smem:$0x3FAE]  }
0x39: {  	_ = 	snop;
	(pc) =	sbr.ind lr, $3  }
0x3a: {  	_ = 	snop  }
0x3b: {  	_ = 	snop  }
0x3c: {  	p2 =	seq.s32 s10, $0x1;
	s10 =	sld [smem:$0x3FAD]  }
0x3d: {  	_ =	shalt  }
0x3e: {  	_ =	shalt  }
0x3f: {  	_ =	shalt  }
0x40: {  	_ =	shalt  }
0x41: {  	_ =	shalt  }
0x42: {  	_ =	shalt  }
0x43: {  	_ =	shalt  }
0x44: {  	_ =	shalt  }
0x45: {  	_ =	shalt  }
0x46: {  	_ =	shalt  }
0x47: {  	_ =	shalt  }
0x48: {  	_ =	shalt  }
0x49: {  	_ =	shalt  }
0x4a: {  	_ =	shalt  }
0x4b: {  	_ =	shalt  }
0x4c: {  	_ =	shalt  }
0x4d: {  	_ =	shalt  }
0x4e: {  	_ =	shalt  }
0x4f: {  	_ =	shalt  }
0x50: {  	_ =	shalt  }
0x51: {  	_ =	shalt  }
0x52: {  	_ =	shalt  }
0x53: {  	_ =	shalt  }
0x54: {  	_ =	shalt  }
0x55: {  	_ =	shalt  }
0x56: {  	_ =	shalt  }
0x57: {  	_ =	shalt  }
0x58: {  	_ =	shalt  }
0x59: {  	_ =	shalt  }
0x5a: {  	_ =	shalt  }
0x5b: {  	_ =	shalt  }
0x5c: {  	_ =	shalt  }
0x5d: {  	_ =	shalt  }
0x5e: {  	_ =	shalt  }
0x5f: {  	_ =	shalt  }
0x60: {  	_ =	shalt  }
0x61: {  	_ =	shalt  }
0x62: {  	_ =	shalt  }
0x63: {  	_ =	shalt  }
0x64: {  	_ =	shalt  }
0x65: {  	_ =	shalt  }
0x66: {  	_ =	shalt  }
0x67: {  	_ =	shalt  }
0x68: {  	_ =	shalt  }
0x69: {  	_ =	shalt  }
0x6a: {  	_ =	shalt  }
0x6b: {  	_ =	shalt  }
0x6c: {  	_ =	shalt  }
0x6d: {  	_ =	shalt  }
0x6e: {  	_ =	shalt  }
0x6f: {  	_ =	shalt  }
0x70: {  	_ =	shalt  }
0x71: {  	_ =	shalt  }
0x72: {  	_ =	shalt  }
0x73: {  	_ =	shalt  }
0x74: {  	_ =	shalt  }
0x75: {  	_ =	shalt  }
0x76: {  	_ =	shalt  }
0x77: {  	_ =	shalt  }
0x78: {  	_ =	shalt  }
0x79: {  	_ =	shalt  }
0x7a: {  	_ =	shalt  }
0x7b: {  	_ =	shalt  }
0x7c: {  	_ =	shalt  }
0x7d: {  	_ =	shalt  }
0x7e: {  	_ =	shalt  }
0x7f: {  	_ =	shalt  }
0x80: {  	_ =	shalt  }
0x81: {  	_ =	shalt  }
0x82: {  	_ =	shalt  }
0x83: {  	_ =	shalt  }
0x84: {  	_ =	shalt  }
0x85: {  	_ =	shalt  }
0x86: {  	_ =	shalt  }
0x87: {  	_ =	shalt  }
.Lfunc_end0:
.L_simem_size_0:
called_computation_lowered:
.L_overlay_start_0:
0x88: {  	s2 =	sld [smem:$0x3FD9]  }
0x89: {  	s3 =	sld [smem:$0x3FFE];
	_ =	sdelay $0x1  }
0x8a: {  	s1 =	srdreg.scid  }
0x8b: {  	s0 =	sand.u32 $0x1, s1  }
0x8c: {  	s14 =	sshll.u32 s0, $0xA;
	s2 =	sadd.s32 s3, s2  }
0x8d: {  	s2 =	sadd.s32 s2, s14  }
0x8e: {  	[smem:$0x3FB9] =	sst s2  }
0x8f: {  	_ = 	snop  }
0x90: {  	s2 =	sld [smem:$0x3FD0];
	_ =	sdelay $0x2  }
0x91: {  	s15 =	simm.s32 $0xA;
	s4 =	simm.s32 $0x10  }
0x92: {  	[smem:s4], [sflag:s15] =	dma.local [hbm:s2], $0x1  }
0x93: {  	_ =	swait.eq [sflag:s15], $0x1  }
0x94: {  	[sflag:s15] =	ssyncset.done $0x0  }
0x95: {  	s16 =	sld [smem:$0x10];
	[sflag:s15] =	ssyncadd.s32 $0xFFFFFFFF  }
0x96: {  	s17 =	sld [smem:$0x11];
	(tm) =	ssettm $0x1  }
0x97: {  	s18 =	sld [smem:$0x3FFB];
	_ =	sdelay $0x3  }
0x98: {  	_ =	strace s18  }
0x99: {  	s4 =	sld [smem:$0x3FFC];
	_ =	sdelay $0x3  }
0x9a: {  	_ =	strace s4  }
0x9b: {  	s4 =	sld [smem:$0x3FFD];
	_ =	sdelay $0x3  }
0x9c: {  	_ =	strace s4  }
0x9d: {  	_ =	strace $0x8FFFFFFF  }
0x9e: {  	s19 =	sld [smem:$0x3FDB];
	_ =	sdelay $0x1  }
0x9f: {  	s5 =	simm.s32 $_scs_section_size  }
0xa0: {  	s6 =	simm.s32 $_size__tile_overlayer_lowered;
	s7 =	simm.s32 $_tile_overlayer_lowered  }
0xa1: {  	s22 =	simm.s32 $0x1BFF;
	s21 =	sshll.u32 s7, $0x1;
	s4 =	sadd.s32 s5, s19  }
0xa2: {  	s8 =	simm.s32 $0x0;
	s20 =	sshll.u32 s6, $0x1;
	s6 =	sadd.s32 s21, s4  }
0xa3: {  	[timem:s8], [sflag:s22] =	dma.local [hbm:s6], s20  }
0xa4: {  	_ =	swait.ge [sflag:s22], s20  }
0xa5: {  	s5 =	ssub.s32 $0x0, s20;
	[sflag:s22] =	ssyncset.done $0x0  }
0xa6: {  	[sflag:s22] =	ssyncadd.s32 s5;
	_ =	sdelay $0x1  }
0xa7: {  	s23 =	simm.s32 $0x1B8B  }
0xa8: {  	_ =	swait.ge [sflag:s23], $0x1  }
0xa9: {  	[sflag:s23] =	ssyncset.done $0x0  }
0xaa: {  	s25 =	simm.s32 $0x1B8E;
	s24 =	sld [smem:$0x3FFE];
	[sflag:s23] =	ssyncadd.s32 $0xFFFFFFFF  }
0xab: {  	s26 =	simm.s32 $execute0_lowered;
	[smem:$0x3FD2] =	sst s25  }
0xac: {  	s6 =	sshll.u32 s26, $0x1;
	_ =	strace $0x80000046;
	[dreg:$0x1] =	wrdreg $0xFFFFFFFF  }
0xad: {  	s28 =	simm.s32 $_size_execute0_lowered;
	s4 =	sadd.s32 s4, s6;
	[dreg:$0x0] =	wrdreg $0x0  }
0xae: {  	s6 =	sshll.u32 s28, $0x1;
	[dreg:$0x2] =	wrdreg s4  }
0xaf: {  	[dreg:$0x3] =	wrdreg s6  }
0xb0: {  	[dreg:$0x4] =	wrdreg $0xC0  }
0xb1: {  	_ =	task [dreg:s8], $0x5FFFF  }
0xb2: {  	[dreg:$0x1] =	wrdreg $0xFFFFFFFF  }
0xb3: {  	[dreg:$0x0] =	wrdreg $0x60  }
0xb4: {  	[dreg:$0x2] =	wrdreg s24  }
0xb5: {  	[dreg:$0x3] =	wrdreg s17  }
0xb6: {  	[dreg:$0x4] =	wrdreg s16  }
0xb7: {  	[dreg:$0x5] =	wrdreg $0x0  }
0xb8: {  	[dreg:$0x6] =	wrdreg $0x9  }
0xb9: {  	_ =	task.clear_ibuf [dreg:s8], $0x7FFFF;
	_ =	strace $0x90000046  }
0xba: {  	s29 =	simm.s32 $0x9;
	_ =	strace $0x80000048  }
0xbb: {  	_ =	swait.ge [sflag:s29], $0x1  }
0xbc: {  	[sflag:s29] =	ssyncadd.s32 $0xFFFFFFFF  }
0xbd: {  	_ =	strace $0x90000048  }
0xbe: {  	_ =	sfence  }
0xbf: {  	s30 =	sld [smem:$0x0];
	_ =	sdelay $0x2  }
0xc0: {  	s31 =	sshll.u32 s1, $0xD;
	s1 =	sshrl.u32 s1, $0x2  }
0xc1: {  	s3 =	sand.u32 $0x4000, s31;
	s1 =	sadd.s32 s1, s30  }
0xc2: {  	s0 =	sor.u32 s3, s0;
	s1 =	sshll.u32 s1, $0x11  }
0xc3: {  	s0 =	sor.u32 s1, s0  }
0xc4: {  	s0 =	sadd.s32 $0x8F2B, s0  }
0xc5: {  	[sflag:s0] =	ssyncadd.remote.s32 $0x1  }
0xc6: {  	_ =	sfence.sel $0xFFFF  }
0xc7: {  	[dreg:$0x0] =	wrdreg $0xFFFFFFFF;
	(pc) =	sbr.abs _section_cstart, $3  }
0xc8: {  	[dreg:$0x1] =	wrdreg $0xFFFFFFFF  }
0xc9: {  	_ =	task.clear_ibuf [dreg:s8], $0x2FFFF;
	_ =	strace $0x9FFFFFFF  }
0xca: {  	(tm) =	ssettm $0x7FFFFFFF  }
0xcb: {  	_ =	shalt  }
tec
execute0_lowered:
.L_overlay_start_1:
0x0: {  	(tag) =	ssettag $0x1  }
0x1: {  	s0 =	rddreg [dreg:$0x0]  }
0x2: {  	s19 =	rddreg [dreg:$0x1]  }
0x3: {  	s1 =	rddreg [dreg:$0x2]  }
0x4: {  	s2 =	rddreg [dreg:$0x3]  }
0x5: {  	s3 =	srdreg.scid;
	s4 =	simm.s32 $0x0;
	s22 =	stileid.u32  }
0x6: {  	s20 =	simm.s32 $0x17D00;
	s21 =	simm.s32 $0x2;
	s7 =	smul.u32 $0x13C00, s22  }
0x7: {  	s29 =	simm.s32 $0x13C80;
	s30 =	simm.s32 $0x0;
	s8 =	smul.u32 $0x4F000, s22  }
0x8: {  	s28 =	sand.u32 $0x1, s3;
	[smem:$0x7FF] =	sst s4;
	s13 =	smul.u32 $0x9E0, s22  }
0x9: {  	s5 =	sadd.s32 $0x10400, s0;
	s24 =	sadd.s32 $0x1400, s0;
	s17 =	smul.u32 $0x4F00, s22  }
0xa: {  	s31 =	sshll.u32 s22, $0x6;
	s6 =	smul.u32 $0x768000, s28;
	_ =	strace $0x80000047  }
0xb: {  	[dreg:$0x5] =	wrdreg s24;
	s9 =	ssub.s32 $0x2, s28;
	s16 =	smul.u32 $0x9E000, s28  }
0xc: {  	s22 =	sor.u32 $0x1C02, s31;
	s24 =	simm.s32 $0x13C00;
	v0 =	vmov s28;
	s28 =	simm.s32 $0x1  }
0xd: {  	s25 =	sshrl.u32 s9, $0x1;
	s8 =	sshrl.u32 s8, $0x2;
	s13 =	sadd.s32 s13, s19  }
0xe: {  	s7 =	sadd.s32 s7, s6;
	s14 =	ssub.s32 s9, s25;
	s23 =	sadd.s32 s8, s2  }
0xf: {  	s15 =	sadd.s32 $0x9E00, s13;
	s26 =	sadd.s32 s17, s16;
	s7 =	sshrl.u32 s7, $0x3  }
0x10: {  	s16 =	sadd.s32 $0x13C00, s13;
	s17 =	sadd.s32 $0x1DA00, s13;
	s0 =	sadd.s32 s7, s0  }
0x11: {  	s25 =	simm.s32 $0x80;
	s14 =	smax.u32 s14, $0x1;
	s7 =	sadd.s32 $0xAC800, s0  }
0x12: {  	s8 =	sadd.s32 $0xD4000, s0;
	s9 =	sadd.s32 $0xFB800, s0;
	s10 =	sadd.s32 $0x123000, s0  }
0x13: {  	s11 =	sadd.s32 $0x14A800, s0;
	s12 =	sadd.s32 $0x172000, s0;
	s0 =	sadd.s32 $0x4F000, s26  }
0x14: {  	s18 =	sshrl.u32 s26, $0x3;
	s23 =	sshrl.u32 s23, $0x3;
	s0 =	sshrl.u32 s0, $0x3  }
0x15: {  	s18 =	sadd.s32 s18, s19;
	s26 =	simm.s32 $0x13D00;
	s19 =	sadd.s32 s0, s19  }
.LBB2_1:
0x16: {  	s0 =	rddreg [dreg:$0x5]  }
0x17: {  	[tilespmem:s20], [sflag:$0x2] =	stream.linear.gather [hbm4b:s0+s4], $0x4000, $0x38;
	[tilespmem:$0x1BD00] =	vst v63  }
0x18: {  	_ =	swait.ge [sflag:s21], $0x4000  }
0x19: {  	[sflag:s21] =	ssyncset.done $0x0  }
0x1a: {  	[sflag:s21] =	ssyncadd.s32 $0xFFFFC000  }
0x1b: {  	[spmem:s23], [sflag:s22] =	dma.local [hbm:s1], $0x2780  }
0x1c: {  	_ =	swait.ge [sflag:s21], $0x2780  }
0x1d: {  	[sflag:s21] =	ssyncset.done $0x0  }
0x1e: {  	[sflag:s21] =	ssyncadd.s32 $0xFFFFD880  }
0x1f: {  	s6 =	sadd.s32 $0x0, s13;
	[bflag:$0x0] =	sbarrier.arrive $0xFFFF  }
0x20: {  	[tilespmem:s24], [sflag:$0x2] =	stream.linear.gather [hbm4b:s6+s4], $0x100, $0x38;
	[tilespmem:$0x1BD00] =	vst v63  }
0x21: {  	_ =	swait.ge [sflag:s21], $0x100  }
0x22: {  	[sflag:s21] =	ssyncset.done $0x0  }
0x23: {  	[sflag:s21] =	ssyncadd.s32 $0xFFFFFF00  }
0x24: {  	v1 =	vld [tilespmem:$0x13C70]  }
0x25: {  	v2 =	vld [tilespmem:$0x13C30]  }
0x26: {  	v3 =	vld [tilespmem:$0x13C50]  }
0x27: {  	v4 =	vld [tilespmem:$0x13C40]  }
0x28: {  	v5 =	vld [tilespmem:$0x13C60]  }
0x29: {  	v6 =	vld [tilespmem:$0x13C20];
	v1 =	vadd.s32 v0, v1  }
0x2a: {  	v7 =	vld [tilespmem:$0x13C10];
	v2 =	vadd.s32 v0, v2;
	[tilespmem:$0x13C70] =	vst v1  }
0x2b: {  	v1 =	vld [tilespmem:$0x13C00];
	[tilespmem:$0x13C30] =	vst v2;
	v2 =	vadd.s32 v0, v3  }
0x2c: {  	v3 =	vadd.s32 v0, v4;
	[tilespmem:$0x13C50] =	vst v2  }
0x2d: {  	[tilespmem:$0x13C40] =	vst v3;
	v2 =	vadd.s32 v0, v5  }
0x2e: {  	v3 =	vadd.s32 v0, v6;
	[tilespmem:$0x13C60] =	vst v2  }
0x2f: {  	v2 =	vadd.s32 v0, v7;
	[tilespmem:$0x13C20] =	vst v3  }
0x30: {  	[tilespmem:$0x13C10] =	vst v2;
	v1 =	vadd.s32 v0, v1  }
0x31: {  	s31 =	simm.s32 $0x20;
	[tilespmem:$0x13C00] =	vst v1  }
.LBB2_2:
0x32: {  	[tilespmem:s26], [sflag:$0x1] =	stream.indirect.gather [hbm4b:s5+s25], $0x80, s24, s25, $0xb8;
	[tilespmem:$0x1BD00] =	vst v63  }
0x33: {  	s0 =	smov.u32 s31  }
0x34: {  	p0 =	sne.s32 s31, $0x9C0;
	s31 =	sadd.s32 $0x20, s31;
	_ =	swait.ge [sflag:s28], $0x4000  }
0x35: {  	[sflag:s28] =	ssyncset.done $0x0  }
0x36: {  	[sflag:s28] =	ssyncadd.s32 $0xFFFFC000  }
0x37: {  	[spmem:s2] =	stream.indirect.scatter.add.f32 [tilespmem:s26], [sflag:$0x2], $0x80, s29, s25, $0xb8;
	[tilespmem:$0x1BD00] =	vst v63  }
0x38: {  	_ =	swait.ge [sflag:s21], $0x4000  }
0x39: {  	[sflag:s21] =	ssyncset.done $0x0  }
0x3a: {  	s0 =	sadd.s32 s0, s13;
	[sflag:s21] =	ssyncadd.s32 $0xFFFFC000  }
0x3b: {  	[tilespmem:s24], [sflag:$0x2] =	stream.linear.gather [hbm4b:s0+s4], $0x100, $0x38;
	[tilespmem:$0x1BD00] =	vst v63  }
0x3c: {  	_ =	swait.ge [sflag:s21], $0x100  }
0x3d: {  	[sflag:s21] =	ssyncset.done $0x0  }
0x3e: {  	[sflag:s21] =	ssyncadd.s32 $0xFFFFFF00  }
0x3f: {  	v1 =	vld [tilespmem:$0x13C70]  }
0x40: {  	v2 =	vld [tilespmem:$0x13C30]  }
0x41: {  	v3 =	vld [tilespmem:$0x13C50]  }
0x42: {  	v4 =	vld [tilespmem:$0x13C40]  }
0x43: {  	v5 =	vld [tilespmem:$0x13C60]  }
0x44: {  	v6 =	vld [tilespmem:$0x13C20];
	v1 =	vadd.s32 v0, v1  }
0x45: {  	v7 =	vld [tilespmem:$0x13C10];
	v2 =	vadd.s32 v0, v2;
	[tilespmem:$0x13C70] =	vst v1  }
0x46: {  	v1 =	vld [tilespmem:$0x13C00];
	[tilespmem:$0x13C30] =	vst v2;
	v2 =	vadd.s32 v0, v3  }
0x47: {  	v3 =	vadd.s32 v0, v4;
	[tilespmem:$0x13C50] =	vst v2  }
.Ltmp0:
0x48: {  	[tilespmem:$0x13C40] =	vst v3;
	v2 =	vadd.s32 v0, v5;
	(pc) =	sbr.rel @p0 .LBB2_2-.Ltmp0, $4  }
0x49: {  	v3 =	vadd.s32 v0, v6;
	[tilespmem:$0x13C60] =	vst v2  }
0x4a: {  	v2 =	vadd.s32 v0, v7;
	[tilespmem:$0x13C20] =	vst v3  }
0x4b: {  	v1 =	vadd.s32 v0, v1;
	[tilespmem:$0x13C10] =	vst v2  }
0x4c: {  	[tilespmem:$0x13C00] =	vst v1  }
0x4d: {  	[tilespmem:s26], [sflag:$0x1] =	stream.indirect.gather [hbm4b:s5+s25], $0x80, s24, s25, $0xb8;
	[tilespmem:$0x1BD00] =	vst v63  }
0x4e: {  	_ =	swait.ge [sflag:s28], $0x4000  }
0x4f: {  	[sflag:s28] =	ssyncset.done $0x0  }
0x50: {  	[sflag:s28] =	ssyncadd.s32 $0xFFFFC000  }
0x51: {  	[spmem:s2] =	stream.indirect.scatter.add.f32 [tilespmem:s26], [sflag:$0x2], $0x80, s29, s25, $0xb8;
	[tilespmem:$0x1BD00] =	vst v63  }
0x52: {  	_ =	swait.ge [sflag:s21], $0x4000  }
0x53: {  	[sflag:s21] =	ssyncset.done $0x0  }
0x54: {  	[sflag:s21] =	ssyncadd.s32 $0xFFFFC000  }
0x55: {  	[bflag:$0x0] =	sbarrier.arrive $0xFFFF  }
0x56: {  	[hbm:s7], [sflag:s22] =	dma.local [spmem:s23], $0x2780  }
0x57: {  	_ =	swait.ge [sflag:s21], $0x2780  }
0x58: {  	[sflag:s21] =	ssyncset.done $0x0  }
0x59: {  	[sflag:s21] =	ssyncadd.s32 $0xFFFFD880  }
0x5a: {  	[spmem:s23], [sflag:s22] =	dma.local [hbm:s1], $0x2780  }
0x5b: {  	_ =	swait.ge [sflag:s21], $0x2780  }
0x5c: {  	[sflag:s21] =	ssyncset.done $0x0  }
0x5d: {  	[sflag:s21] =	ssyncadd.s32 $0xFFFFD880  }
0x5e: {  	s0 =	sadd.s32 $0x0, s15;
	[bflag:$0x0] =	sbarrier.arrive $0xFFFF  }
0x5f: {  	[tilespmem:s24], [sflag:$0x2] =	stream.linear.gather [hbm4b:s0+s4], $0x100, $0x38;
	[tilespmem:$0x1BD00] =	vst v63  }
0x60: {  	_ =	swait.ge [sflag:s21], $0x100  }
0x61: {  	[sflag:s21] =	ssyncset.done $0x0  }
0x62: {  	[sflag:s21] =	ssyncadd.s32 $0xFFFFFF00  }
0x63: {  	v1 =	vld [tilespmem:$0x13C70]  }
0x64: {  	v2 =	vld [tilespmem:$0x13C30]  }
0x65: {  	v3 =	vld [tilespmem:$0x13C50]  }
0x66: {  	v4 =	vld [tilespmem:$0x13C40]  }
0x67: {  	v5 =	vld [tilespmem:$0x13C60]  }
0x68: {  	v6 =	vld [tilespmem:$0x13C20];
	v1 =	vadd.s32 v0, v1  }
0x69: {  	v7 =	vld [tilespmem:$0x13C10];
	v2 =	vadd.s32 v0, v2;
	[tilespmem:$0x13C70] =	vst v1  }
0x6a: {  	v1 =	vld [tilespmem:$0x13C00];
	[tilespmem:$0x13C30] =	vst v2;
	v2 =	vadd.s32 v0, v3  }
0x6b: {  	v3 =	vadd.s32 v0, v4;
	[tilespmem:$0x13C50] =	vst v2  }
0x6c: {  	[tilespmem:$0x13C40] =	vst v3;
	v2 =	vadd.s32 v0, v5  }
0x6d: {  	v3 =	vadd.s32 v0, v6;
	[tilespmem:$0x13C60] =	vst v2  }
0x6e: {  	v2 =	vadd.s32 v0, v7;
	[tilespmem:$0x13C20] =	vst v3  }
0x6f: {  	[tilespmem:$0x13C10] =	vst v2;
	v1 =	vadd.s32 v0, v1  }
0x70: {  	s31 =	simm.s32 $0x20;
	[tilespmem:$0x13C00] =	vst v1  }
.LBB2_4:
0x71: {  	[tilespmem:s26], [sflag:$0x1] =	stream.indirect.gather [hbm4b:s5+s25], $0x80, s24, s25, $0xb8;
	[tilespmem:$0x1BD00] =	vst v63  }
0x72: {  	s0 =	smov.u32 s31  }
0x73: {  	p0 =	sne.s32 s31, $0x9C0;
	s31 =	sadd.s32 $0x20, s31;
	_ =	swait.ge [sflag:s28], $0x4000  }
0x74: {  	[sflag:s28] =	ssyncset.done $0x0  }
0x75: {  	[sflag:s28] =	ssyncadd.s32 $0xFFFFC000  }
0x76: {  	[spmem:s2] =	stream.indirect.scatter.add.f32 [tilespmem:s26], [sflag:$0x2], $0x80, s29, s25, $0xb8;
	[tilespmem:$0x1BD00] =	vst v63  }
0x77: {  	_ =	swait.ge [sflag:s21], $0x4000  }
0x78: {  	[sflag:s21] =	ssyncset.done $0x0  }
0x79: {  	s0 =	sadd.s32 s0, s15;
	[sflag:s21] =	ssyncadd.s32 $0xFFFFC000  }
0x7a: {  	[tilespmem:s24], [sflag:$0x2] =	stream.linear.gather [hbm4b:s0+s4], $0x100, $0x38;
	[tilespmem:$0x1BD00] =	vst v63  }
0x7b: {  	_ =	swait.ge [sflag:s21], $0x100  }
0x7c: {  	[sflag:s21] =	ssyncset.done $0x0  }
0x7d: {  	[sflag:s21] =	ssyncadd.s32 $0xFFFFFF00  }
0x7e: {  	v1 =	vld [tilespmem:$0x13C70]  }
0x7f: {  	v2 =	vld [tilespmem:$0x13C30]  }
0x80: {  	v3 =	vld [tilespmem:$0x13C50]  }
0x81: {  	v4 =	vld [tilespmem:$0x13C40]  }
0x82: {  	v5 =	vld [tilespmem:$0x13C60]  }
0x83: {  	v6 =	vld [tilespmem:$0x13C20];
	v1 =	vadd.s32 v0, v1  }
0x84: {  	v7 =	vld [tilespmem:$0x13C10];
	v2 =	vadd.s32 v0, v2;
	[tilespmem:$0x13C70] =	vst v1  }
0x85: {  	v1 =	vld [tilespmem:$0x13C00];
	[tilespmem:$0x13C30] =	vst v2;
	v2 =	vadd.s32 v0, v3  }
0x86: {  	v3 =	vadd.s32 v0, v4;
	[tilespmem:$0x13C50] =	vst v2  }
.Ltmp1:
0x87: {  	[tilespmem:$0x13C40] =	vst v3;
	v2 =	vadd.s32 v0, v5;
	(pc) =	sbr.rel @p0 .LBB2_4-.Ltmp1, $4  }
0x88: {  	v3 =	vadd.s32 v0, v6;
	[tilespmem:$0x13C60] =	vst v2  }
0x89: {  	v2 =	vadd.s32 v0, v7;
	[tilespmem:$0x13C20] =	vst v3  }
0x8a: {  	v1 =	vadd.s32 v0, v1;
	[tilespmem:$0x13C10] =	vst v2  }
0x8b: {  	[tilespmem:$0x13C00] =	vst v1  }
0x8c: {  	[tilespmem:s26], [sflag:$0x1] =	stream.indirect.gather [hbm4b:s5+s25], $0x80, s24, s25, $0xb8;
	[tilespmem:$0x1BD00] =	vst v63  }
0x8d: {  	_ =	swait.ge [sflag:s28], $0x4000  }
0x8e: {  	[sflag:s28] =	ssyncset.done $0x0  }
0x8f: {  	[sflag:s28] =	ssyncadd.s32 $0xFFFFC000  }
0x90: {  	[spmem:s2] =	stream.indirect.scatter.add.f32 [tilespmem:s26], [sflag:$0x2], $0x80, s29, s25, $0xb8;
	[tilespmem:$0x1BD00] =	vst v63  }
0x91: {  	_ =	swait.ge [sflag:s21], $0x4000  }
0x92: {  	[sflag:s21] =	ssyncset.done $0x0  }
0x93: {  	[sflag:s21] =	ssyncadd.s32 $0xFFFFC000  }
0x94: {  	[bflag:$0x0] =	sbarrier.arrive $0xFFFF  }
0x95: {  	[hbm:s8], [sflag:s22] =	dma.local [spmem:s23], $0x2780  }
0x96: {  	_ =	swait.ge [sflag:s21], $0x2780  }
0x97: {  	[sflag:s21] =	ssyncset.done $0x0  }
0x98: {  	[sflag:s21] =	ssyncadd.s32 $0xFFFFD880  }
0x99: {  	[spmem:s23], [sflag:s22] =	dma.local [hbm:s1], $0x2780  }
0x9a: {  	_ =	swait.ge [sflag:s21], $0x2780  }
0x9b: {  	[sflag:s21] =	ssyncset.done $0x0  }
0x9c: {  	[sflag:s21] =	ssyncadd.s32 $0xFFFFD880  }
0x9d: {  	s0 =	sadd.s32 $0x0, s16;
	[bflag:$0x0] =	sbarrier.arrive $0xFFFF  }
0x9e: {  	[tilespmem:s24], [sflag:$0x2] =	stream.linear.gather [hbm4b:s0+s4], $0x100, $0x38;
	[tilespmem:$0x1BD00] =	vst v63  }
0x9f: {  	_ =	swait.ge [sflag:s21], $0x100  }
0xa0: {  	[sflag:s21] =	ssyncset.done $0x0  }
0xa1: {  	[sflag:s21] =	ssyncadd.s32 $0xFFFFFF00  }
0xa2: {  	v1 =	vld [tilespmem:$0x13C70]  }
0xa3: {  	v2 =	vld [tilespmem:$0x13C30]  }
0xa4: {  	v3 =	vld [tilespmem:$0x13C50]  }
0xa5: {  	v4 =	vld [tilespmem:$0x13C40]  }
0xa6: {  	v5 =	vld [tilespmem:$0x13C60]  }
0xa7: {  	v6 =	vld [tilespmem:$0x13C20];
	v1 =	vadd.s32 v0, v1  }
0xa8: {  	v7 =	vld [tilespmem:$0x13C10];
	v2 =	vadd.s32 v0, v2;
	[tilespmem:$0x13C70] =	vst v1  }
0xa9: {  	v1 =	vld [tilespmem:$0x13C00];
	[tilespmem:$0x13C30] =	vst v2;
	v2 =	vadd.s32 v0, v3  }
0xaa: {  	v3 =	vadd.s32 v0, v4;
	[tilespmem:$0x13C50] =	vst v2  }
0xab: {  	[tilespmem:$0x13C40] =	vst v3;
	v2 =	vadd.s32 v0, v5  }
0xac: {  	v3 =	vadd.s32 v0, v6;
	[tilespmem:$0x13C60] =	vst v2  }
0xad: {  	v2 =	vadd.s32 v0, v7;
	[tilespmem:$0x13C20] =	vst v3  }
0xae: {  	[tilespmem:$0x13C10] =	vst v2;
	v1 =	vadd.s32 v0, v1  }
0xaf: {  	s31 =	simm.s32 $0x20;
	[tilespmem:$0x13C00] =	vst v1  }
.LBB2_6:
0xb0: {  	[tilespmem:s26], [sflag:$0x1] =	stream.indirect.gather [hbm4b:s5+s25], $0x80, s24, s25, $0xb8;
	[tilespmem:$0x1BD00] =	vst v63  }
0xb1: {  	s0 =	smov.u32 s31  }
0xb2: {  	p0 =	sne.s32 s31, $0x9C0;
	s31 =	sadd.s32 $0x20, s31;
	_ =	swait.ge [sflag:s28], $0x4000  }
0xb3: {  	[sflag:s28] =	ssyncset.done $0x0  }
0xb4: {  	[sflag:s28] =	ssyncadd.s32 $0xFFFFC000  }
0xb5: {  	[spmem:s2] =	stream.indirect.scatter.add.f32 [tilespmem:s26], [sflag:$0x2], $0x80, s29, s25, $0xb8;
	[tilespmem:$0x1BD00] =	vst v63  }
0xb6: {  	_ =	swait.ge [sflag:s21], $0x4000  }
0xb7: {  	[sflag:s21] =	ssyncset.done $0x0  }
0xb8: {  	s0 =	sadd.s32 s0, s16;
	[sflag:s21] =	ssyncadd.s32 $0xFFFFC000  }
0xb9: {  	[tilespmem:s24], [sflag:$0x2] =	stream.linear.gather [hbm4b:s0+s4], $0x100, $0x38;
	[tilespmem:$0x1BD00] =	vst v63  }
0xba: {  	_ =	swait.ge [sflag:s21], $0x100  }
0xbb: {  	[sflag:s21] =	ssyncset.done $0x0  }
0xbc: {  	[sflag:s21] =	ssyncadd.s32 $0xFFFFFF00  }
0xbd: {  	v1 =	vld [tilespmem:$0x13C70]  }
0xbe: {  	v2 =	vld [tilespmem:$0x13C30]  }
0xbf: {  	v3 =	vld [tilespmem:$0x13C50]  }
0xc0: {  	v4 =	vld [tilespmem:$0x13C40]  }
0xc1: {  	v5 =	vld [tilespmem:$0x13C60]  }
0xc2: {  	v6 =	vld [tilespmem:$0x13C20];
	v1 =	vadd.s32 v0, v1  }
0xc3: {  	v7 =	vld [tilespmem:$0x13C10];
	v2 =	vadd.s32 v0, v2;
	[tilespmem:$0x13C70] =	vst v1  }
0xc4: {  	v1 =	vld [tilespmem:$0x13C00];
	[tilespmem:$0x13C30] =	vst v2;
	v2 =	vadd.s32 v0, v3  }
0xc5: {  	v3 =	vadd.s32 v0, v4;
	[tilespmem:$0x13C50] =	vst v2  }
.Ltmp2:
0xc6: {  	[tilespmem:$0x13C40] =	vst v3;
	v2 =	vadd.s32 v0, v5;
	(pc) =	sbr.rel @p0 .LBB2_6-.Ltmp2, $4  }
0xc7: {  	v3 =	vadd.s32 v0, v6;
	[tilespmem:$0x13C60] =	vst v2  }
0xc8: {  	v2 =	vadd.s32 v0, v7;
	[tilespmem:$0x13C20] =	vst v3  }
0xc9: {  	v1 =	vadd.s32 v0, v1;
	[tilespmem:$0x13C10] =	vst v2  }
0xca: {  	[tilespmem:$0x13C00] =	vst v1  }
0xcb: {  	[tilespmem:s26], [sflag:$0x1] =	stream.indirect.gather [hbm4b:s5+s25], $0x80, s24, s25, $0xb8;
	[tilespmem:$0x1BD00] =	vst v63  }
0xcc: {  	_ =	swait.ge [sflag:s28], $0x4000  }
0xcd: {  	[sflag:s28] =	ssyncset.done $0x0  }
0xce: {  	[sflag:s28] =	ssyncadd.s32 $0xFFFFC000  }
0xcf: {  	[spmem:s2] =	stream.indirect.scatter.add.f32 [tilespmem:s26], [sflag:$0x2], $0x80, s29, s25, $0xb8;
	[tilespmem:$0x1BD00] =	vst v63  }
0xd0: {  	_ =	swait.ge [sflag:s21], $0x4000  }
0xd1: {  	[sflag:s21] =	ssyncset.done $0x0  }
0xd2: {  	[sflag:s21] =	ssyncadd.s32 $0xFFFFC000  }
0xd3: {  	[bflag:$0x0] =	sbarrier.arrive $0xFFFF  }
0xd4: {  	[hbm:s9], [sflag:s22] =	dma.local [spmem:s23], $0x2780  }
0xd5: {  	_ =	swait.ge [sflag:s21], $0x2780  }
0xd6: {  	[sflag:s21] =	ssyncset.done $0x0  }
0xd7: {  	[sflag:s21] =	ssyncadd.s32 $0xFFFFD880  }
0xd8: {  	[spmem:s23], [sflag:s22] =	dma.local [hbm:s1], $0x2780  }
0xd9: {  	_ =	swait.ge [sflag:s21], $0x2780  }
0xda: {  	[sflag:s21] =	ssyncset.done $0x0  }
0xdb: {  	[sflag:s21] =	ssyncadd.s32 $0xFFFFD880  }
0xdc: {  	s0 =	sadd.s32 $0x0, s17;
	[bflag:$0x0] =	sbarrier.arrive $0xFFFF  }
0xdd: {  	[tilespmem:s24], [sflag:$0x2] =	stream.linear.gather [hbm4b:s0+s4], $0x100, $0x38;
	[tilespmem:$0x1BD00] =	vst v63  }
0xde: {  	_ =	swait.ge [sflag:s21], $0x100  }
0xdf: {  	[sflag:s21] =	ssyncset.done $0x0  }
0xe0: {  	[sflag:s21] =	ssyncadd.s32 $0xFFFFFF00  }
0xe1: {  	v1 =	vld [tilespmem:$0x13C70]  }
0xe2: {  	v2 =	vld [tilespmem:$0x13C30]  }
0xe3: {  	v3 =	vld [tilespmem:$0x13C50]  }
0xe4: {  	v4 =	vld [tilespmem:$0x13C40]  }
0xe5: {  	v5 =	vld [tilespmem:$0x13C60]  }
0xe6: {  	v6 =	vld [tilespmem:$0x13C20];
	v1 =	vadd.s32 v0, v1  }
0xe7: {  	v7 =	vld [tilespmem:$0x13C10];
	v2 =	vadd.s32 v0, v2;
	[tilespmem:$0x13C70] =	vst v1  }
0xe8: {  	v1 =	vld [tilespmem:$0x13C00];
	[tilespmem:$0x13C30] =	vst v2;
	v2 =	vadd.s32 v0, v3  }
0xe9: {  	v3 =	vadd.s32 v0, v4;
	[tilespmem:$0x13C50] =	vst v2  }
0xea: {  	[tilespmem:$0x13C40] =	vst v3;
	v2 =	vadd.s32 v0, v5  }
0xeb: {  	v3 =	vadd.s32 v0, v6;
	[tilespmem:$0x13C60] =	vst v2  }
0xec: {  	v2 =	vadd.s32 v0, v7;
	[tilespmem:$0x13C20] =	vst v3  }
0xed: {  	[tilespmem:$0x13C10] =	vst v2;
	v1 =	vadd.s32 v0, v1  }
0xee: {  	s31 =	simm.s32 $0x20;
	[tilespmem:$0x13C00] =	vst v1  }
.LBB2_8:
0xef: {  	[tilespmem:s26], [sflag:$0x1] =	stream.indirect.gather [hbm4b:s5+s25], $0x80, s24, s25, $0xb8;
	[tilespmem:$0x1BD00] =	vst v63  }
0xf0: {  	s0 =	smov.u32 s31  }
0xf1: {  	p0 =	sne.s32 s31, $0x9C0;
	s31 =	sadd.s32 $0x20, s31;
	_ =	swait.ge [sflag:s28], $0x4000  }
0xf2: {  	[sflag:s28] =	ssyncset.done $0x0  }
0xf3: {  	[sflag:s28] =	ssyncadd.s32 $0xFFFFC000  }
0xf4: {  	[spmem:s2] =	stream.indirect.scatter.add.f32 [tilespmem:s26], [sflag:$0x2], $0x80, s29, s25, $0xb8;
	[tilespmem:$0x1BD00] =	vst v63  }
0xf5: {  	_ =	swait.ge [sflag:s21], $0x4000  }
0xf6: {  	[sflag:s21] =	ssyncset.done $0x0  }
0xf7: {  	s0 =	sadd.s32 s0, s17;
	[sflag:s21] =	ssyncadd.s32 $0xFFFFC000  }
0xf8: {  	[tilespmem:s24], [sflag:$0x2] =	stream.linear.gather [hbm4b:s0+s4], $0x100, $0x38;
	[tilespmem:$0x1BD00] =	vst v63  }
0xf9: {  	_ =	swait.ge [sflag:s21], $0x100  }
0xfa: {  	[sflag:s21] =	ssyncset.done $0x0  }
0xfb: {  	[sflag:s21] =	ssyncadd.s32 $0xFFFFFF00  }
0xfc: {  	v1 =	vld [tilespmem:$0x13C70]  }
0xfd: {  	v2 =	vld [tilespmem:$0x13C30]  }
0xfe: {  	v3 =	vld [tilespmem:$0x13C50]  }
0xff: {  	v4 =	vld [tilespmem:$0x13C40]  }
0x100: {  	v5 =	vld [tilespmem:$0x13C60]  }
0x101: {  	v6 =	vld [tilespmem:$0x13C20];
	v1 =	vadd.s32 v0, v1  }
0x102: {  	v7 =	vld [tilespmem:$0x13C10];
	v2 =	vadd.s32 v0, v2;
	[tilespmem:$0x13C70] =	vst v1  }
0x103: {  	v1 =	vld [tilespmem:$0x13C00];
	[tilespmem:$0x13C30] =	vst v2;
	v2 =	vadd.s32 v0, v3  }
0x104: {  	v3 =	vadd.s32 v0, v4;
	[tilespmem:$0x13C50] =	vst v2  }
.Ltmp3:
0x105: {  	[tilespmem:$0x13C40] =	vst v3;
	v2 =	vadd.s32 v0, v5;
	(pc) =	sbr.rel @p0 .LBB2_8-.Ltmp3, $4  }
0x106: {  	v3 =	vadd.s32 v0, v6;
	[tilespmem:$0x13C60] =	vst v2  }
0x107: {  	v2 =	vadd.s32 v0, v7;
	[tilespmem:$0x13C20] =	vst v3  }
0x108: {  	v1 =	vadd.s32 v0, v1;
	[tilespmem:$0x13C10] =	vst v2  }
0x109: {  	[tilespmem:$0x13C00] =	vst v1  }
0x10a: {  	[tilespmem:s26], [sflag:$0x1] =	stream.indirect.gather [hbm4b:s5+s25], $0x80, s24, s25, $0xb8;
	[tilespmem:$0x1BD00] =	vst v63  }
0x10b: {  	_ =	swait.ge [sflag:s28], $0x4000  }
0x10c: {  	[sflag:s28] =	ssyncset.done $0x0  }
0x10d: {  	[sflag:s28] =	ssyncadd.s32 $0xFFFFC000  }
0x10e: {  	[spmem:s2] =	stream.indirect.scatter.add.f32 [tilespmem:s26], [sflag:$0x2], $0x80, s29, s25, $0xb8;
	[tilespmem:$0x1BD00] =	vst v63  }
0x10f: {  	_ =	swait.ge [sflag:s21], $0x4000  }
0x110: {  	[sflag:s21] =	ssyncset.done $0x0  }
0x111: {  	[sflag:s21] =	ssyncadd.s32 $0xFFFFC000  }
0x112: {  	[bflag:$0x0] =	sbarrier.arrive $0xFFFF  }
0x113: {  	[hbm:s10], [sflag:s22] =	dma.local [spmem:s23], $0x2780  }
0x114: {  	_ =	swait.ge [sflag:s21], $0x2780  }
0x115: {  	[sflag:s21] =	ssyncset.done $0x0  }
0x116: {  	[sflag:s21] =	ssyncadd.s32 $0xFFFFD880  }
0x117: {  	[spmem:s23], [sflag:s22] =	dma.local [hbm:s1], $0x2780  }
0x118: {  	_ =	swait.ge [sflag:s21], $0x2780  }
0x119: {  	[sflag:s21] =	ssyncset.done $0x0  }
0x11a: {  	[sflag:s21] =	ssyncadd.s32 $0xFFFFD880  }
0x11b: {  	s0 =	sadd.s32 $0x10, s18;
	[bflag:$0x0] =	sbarrier.arrive $0xFFFF  }
0x11c: {  	[tilespmem:s29], [sflag:$0x2] =	stream.linear.gather [hbm4b:s0+s4], $0x80, $0x38;
	[tilespmem:$0x1BD00] =	vst v63  }
0x11d: {  	_ =	swait.ge [sflag:s21], $0x80  }
0x11e: {  	[sflag:s21] =	ssyncset.done $0x0  }
0x11f: {  	[sflag:s21] =	ssyncadd.s32 $0xFFFFFF80  }
0x120: {  	[spmem:s2] =	stream.indirect.scatter.add.f32 [tilespmem:s20], [sflag:$0x2], $0x80, s29, s25, $0xb8;
	[tilespmem:$0x1BD00] =	vst v63  }
0x121: {  	_ =	swait.ge [sflag:s21], $0x4000  }
0x122: {  	s31 =	simm.s32 $0x30;
	s0 =	simm.s32 $0x50;
	[sflag:s21] =	ssyncset.done $0x0  }
.LBB2_10:
0x123: {  	s3 =	sadd.s32 s31, s18  }
0x124: {  	[sflag:s21] =	ssyncadd.s32 $0xFFFFC000;
	s31 =	smov.u32 s0;
	s6 =	sadd.s32 $0x20, s0  }
0x125: {  	[tilespmem:s29], [sflag:$0x2] =	stream.linear.gather [hbm4b:s3+s4], $0x80, $0x38;
	[tilespmem:$0x1BD00] =	vst v63  }
0x126: {  	p0 =	sne.s32 s0, $0x9D0;
	_ =	swait.ge [sflag:s21], $0x80  }
.Ltmp4:
0x127: {  	[sflag:s21] =	ssyncset.done $0x0;
	(pc) =	sbr.rel @p0 .LBB2_10-.Ltmp4, $4  }
0x128: {  	[sflag:s21] =	ssyncadd.s32 $0xFFFFFF80  }
0x129: {  	[spmem:s2] =	stream.indirect.scatter.add.f32 [tilespmem:s20], [sflag:$0x2], $0x80, s29, s25, $0xb8;
	[tilespmem:$0x1BD00] =	vst v63  }
0x12a: {  	_ =	swait.ge [sflag:s21], $0x4000  }
0x12b: {  	s0 =	smov.u32 s6;
	[sflag:s21] =	ssyncset.done $0x0  }
0x12c: {  	s0 =	sadd.s32 s31, s18;
	[sflag:s21] =	ssyncadd.s32 $0xFFFFC000  }
0x12d: {  	[tilespmem:s29], [sflag:$0x2] =	stream.linear.gather [hbm4b:s0+s4], $0x80, $0x38;
	[tilespmem:$0x1BD00] =	vst v63  }
0x12e: {  	_ =	swait.ge [sflag:s21], $0x80  }
0x12f: {  	[sflag:s21] =	ssyncset.done $0x0  }
0x130: {  	[sflag:s21] =	ssyncadd.s32 $0xFFFFFF80  }
0x131: {  	[spmem:s2] =	stream.indirect.scatter.add.f32 [tilespmem:s20], [sflag:$0x2], $0x80, s29, s25, $0xb8;
	[tilespmem:$0x1BD00] =	vst v63  }
0x132: {  	_ =	swait.ge [sflag:s21], $0x4000  }
0x133: {  	[sflag:s21] =	ssyncset.done $0x0  }
0x134: {  	[sflag:s21] =	ssyncadd.s32 $0xFFFFC000  }
0x135: {  	[bflag:$0x0] =	sbarrier.arrive $0xFFFF  }
0x136: {  	[hbm:s11], [sflag:s22] =	dma.local [spmem:s23], $0x2780  }
0x137: {  	_ =	swait.ge [sflag:s21], $0x2780  }
0x138: {  	[sflag:s21] =	ssyncset.done $0x0  }
0x139: {  	[sflag:s21] =	ssyncadd.s32 $0xFFFFD880  }
0x13a: {  	[spmem:s23], [sflag:s22] =	dma.local [hbm:s1], $0x2780  }
0x13b: {  	_ =	swait.ge [sflag:s21], $0x2780  }
0x13c: {  	[sflag:s21] =	ssyncset.done $0x0  }
0x13d: {  	[sflag:s21] =	ssyncadd.s32 $0xFFFFD880  }
0x13e: {  	s6 =	sadd.s32 $0x10, s19;
	[bflag:$0x0] =	sbarrier.arrive $0xFFFF  }
0x13f: {  	[tilespmem:s29], [sflag:$0x2] =	stream.linear.gather [hbm4b:s6+s4], $0x80, $0x38;
	[tilespmem:$0x1BD00] =	vst v63  }
0x140: {  	_ =	swait.ge [sflag:s21], $0x80  }
0x141: {  	[sflag:s21] =	ssyncset.done $0x0  }
0x142: {  	[sflag:s21] =	ssyncadd.s32 $0xFFFFFF80  }
0x143: {  	[spmem:s2] =	stream.indirect.scatter.add.f32 [tilespmem:s20], [sflag:$0x2], $0x80, s29, s25, $0xb8;
	[tilespmem:$0x1BD00] =	vst v63  }
0x144: {  	_ =	swait.ge [sflag:s21], $0x4000  }
0x145: {  	s31 =	simm.s32 $0x30;
	s0 =	simm.s32 $0x50;
	[sflag:s21] =	ssyncset.done $0x0  }
.LBB2_12:
0x146: {  	s3 =	sadd.s32 s31, s19  }
0x147: {  	[sflag:s21] =	ssyncadd.s32 $0xFFFFC000;
	s31 =	smov.u32 s0;
	s6 =	sadd.s32 $0x20, s0  }
0x148: {  	[tilespmem:s29], [sflag:$0x2] =	stream.linear.gather [hbm4b:s3+s4], $0x80, $0x38;
	[tilespmem:$0x1BD00] =	vst v63  }
0x149: {  	p0 =	sne.s32 s0, $0x9D0;
	_ =	swait.ge [sflag:s21], $0x80  }
.Ltmp5:
0x14a: {  	[sflag:s21] =	ssyncset.done $0x0;
	(pc) =	sbr.rel @p0 .LBB2_12-.Ltmp5, $4  }
0x14b: {  	[sflag:s21] =	ssyncadd.s32 $0xFFFFFF80  }
0x14c: {  	[spmem:s2] =	stream.indirect.scatter.add.f32 [tilespmem:s20], [sflag:$0x2], $0x80, s29, s25, $0xb8;
	[tilespmem:$0x1BD00] =	vst v63  }
0x14d: {  	_ =	swait.ge [sflag:s21], $0x4000  }
0x14e: {  	s0 =	smov.u32 s6;
	[sflag:s21] =	ssyncset.done $0x0  }
0x14f: {  	s0 =	sadd.s32 s31, s19;
	[sflag:s21] =	ssyncadd.s32 $0xFFFFC000  }
0x150: {  	[tilespmem:s29], [sflag:$0x2] =	stream.linear.gather [hbm4b:s0+s4], $0x80, $0x38;
	[tilespmem:$0x1BD00] =	vst v63  }
0x151: {  	_ =	swait.ge [sflag:s21], $0x80  }
0x152: {  	[sflag:s21] =	ssyncset.done $0x0  }
0x153: {  	[sflag:s21] =	ssyncadd.s32 $0xFFFFFF80  }
0x154: {  	[spmem:s2] =	stream.indirect.scatter.add.f32 [tilespmem:s20], [sflag:$0x2], $0x80, s29, s25, $0xb8;
	[tilespmem:$0x1BD00] =	vst v63  }
0x155: {  	_ =	swait.ge [sflag:s21], $0x4000  }
0x156: {  	s30 =	sadd.s32 $0x1, s30;
	[sflag:s21] =	ssyncset.done $0x0  }
0x157: {  	p0 =	sne.s32 s30, s14;
	[sflag:s21] =	ssyncadd.s32 $0xFFFFC000  }
.Ltmp6:
0x158: {  	[bflag:$0x0] =	sbarrier.arrive $0xFFFF;
	(pc) =	sbr.rel @p0 .LBB2_1-.Ltmp6, $4  }
0x159: {  	[hbm:s12], [sflag:s22] =	dma.local [spmem:s23], $0x2780  }
0x15a: {  	_ =	swait.ge [sflag:s21], $0x2780  }
0x15b: {  	[sflag:s21] =	ssyncset.done $0x0  }
0x15c: {  	[sflag:s21] =	ssyncadd.s32 $0xFFFFD880  }
0x15d: {  	_ =	sfence.sel $0x180000  }
0x15e: {  	[bflag:$0x0] =	sbarrier.arrive $0xFFFF  }
0x15f: {  	_ =	strace $0x90000047  }
0x160: {  	s0 =	stileid.u32;
	[bflag:$0x2] =	sbarrier.arrive $0xFFFF  }
0x161: {  	p0 =	sne.s32 s0, $0x0;
	s0 =	rddreg [dreg:$0x4]  }
0x162: {  	s0 =	sadd.s32 @!p0 $0x100000, s0  }
0x163: {  	[sflag:s0] =	ssyncadd.tile.s32 @!p0 $0x1;
	_ =	shalt  }
.Lfunc_end2:
_tile_overlayer_lowered:
.L_overlay_start_2:
0x164: {  	(tag) =	ssettag $0x2  }
0x165: {  	s0 =	rddreg [dreg:$0x0];
	s2 =	stileid.u32  }
0x166: {  	s1 =	rddreg [dreg:$0x1];
	p0 =	sne.s32 s2, $0x0  }
0x167: {  	s3 =	rddreg [dreg:$0x2];
	[bflag:$0x3] =	sbarrier.arrive $0xFFFF;
	s2 =	simm.s32 @!p0 $0x1C02  }
0x168: {  	[timem:s3], [sflag:s2] =	dma.local @!p0 [hbm:s0], s1  }
0x169: {  	s0 =	simm.s32 @!p0 $0x2  }
0x16a: {  	_ =	swait.ge @!p0 [sflag:s0], s1  }
0x16b: {  	s1 =	ssub.s32 @!p0 $0x0, s1;
	[sflag:s0] =	ssyncset.done @!p0 $0x0  }
0x16c: {  	[sflag:s0] =	ssyncadd.s32 @!p0 s1  }
0x16d: {  	[bflag:$0x3] =	sbarrier.arrive $0xFFFF  }
0x16e: {  	_ =	shalt  }

</sc_bundles>
